<compile_context>
chip_gen: v7x
topology: tpu7x:2x2x1
jax: 0.10.2.dev20260603
libtpu: 0.0.44.dev20260713+nightly
codegen_flags: <defaults>
</compile_context>

<pallas_src>
import functools

import jax
import jax.numpy as jnp
from jax import lax
from jax.experimental import pallas as pl
from jax.experimental.pallas import tpu as pltpu
from jax.experimental.pallas import tpu_sc as plsc

IN_DIM = 2048
L1_DIM = 1024
L2_DIM = 512
D1_LO = 2048
D2_LO = 3072
N_EDGES = 262144
BATCH = 256
OUT_DIM = 64

NUM_CORES = 2
NUM_SUBCORES = 16
R1 = L1_DIM // NUM_CORES
R2 = L2_DIM // NUM_CORES
W1_WORDS = R1 * IN_DIM
W2_WORDS = R2 * D2_LO
DUMP = W1_WORDS + W2_WORDS
ACC = DUMP + 128
EPT = N_EDGES // NUM_SUBCORES
CH = 2048
NCHUNK = EPT // CH
GRP = 128
NGRP = CH // GRP
LANES = 16
ZBUF = 4096
NCHUNK_ALL = N_EDGES // CH


def _build_w_kernel(pk_hbm, wt_hbm, w1_hbm, w2_hbm,
                    acc_sh, buf_v, wt_v, idx_v, zero_v, sem):
    c = lax.axis_index("c")
    s = lax.axis_index("s")

    def zfill(i, _):
        zero_v[pl.ds(i * LANES, LANES)] = jnp.zeros((LANES,), jnp.float32)
        return 0
    lax.fori_loop(0, ZBUF // LANES, zfill, 0)
    span = ACC // NUM_SUBCORES
    base = s * span
    def zcopy(i, _):
        pltpu.sync_copy(zero_v, acc_sh.at[pl.ds(base + i * ZBUF, ZBUF)])
        return 0
    lax.fori_loop(0, span // ZBUF, zcopy, 0)
    pltpu.sync_copy(zero_v, acc_sh.at[pl.ds(base + span - ZBUF, ZBUF)])

    plsc.subcore_barrier()

    d1_base = D1_LO + c * R1
    d2_base = D2_LO + c * R2

    def chunk_body(ch, _):
        pltpu.async_copy(pk_hbm.at[s * NCHUNK + ch], buf_v, sem)
        pltpu.async_copy(wt_hbm.at[pl.ds((s * NCHUNK + ch) * CH, CH)],
                         wt_v, sem)
        pltpu.make_async_copy(pk_hbm.at[s * NCHUNK + ch], buf_v, sem).wait()
        pltpu.make_async_copy(wt_hbm.at[pl.ds((s * NCHUNK + ch) * CH, CH)],
                              wt_v, sem).wait()

        def vec_body(v, _):
            sv = buf_v[0, pl.ds(v * LANES, LANES)]
            dv = buf_v[1, pl.ds(v * LANES, LANES)]
            r1 = dv - d1_base
            m1 = (r1 >= 0) & (r1 < R1) & (sv < IN_DIM)
            r2 = dv - d2_base
            m2 = (r2 >= 0) & (r2 < R2) & (sv < D2_LO)
            iv = jnp.where(m1, r1 * IN_DIM + sv,
                           jnp.where(m2, W1_WORDS + r2 * D2_LO + sv,
                                     DUMP + (sv & 127)))
            idx_v[v // (GRP // LANES),
                  pl.ds((v % (GRP // LANES)) * LANES, LANES)] = iv
            return 0
        lax.fori_loop(0, CH // LANES, vec_body, 0)

        def fire(g, _):
            pltpu.async_copy(wt_v.at[pl.ds(g * GRP, GRP)],
                             acc_sh.at[idx_v.at[g]], sem, add=True)
            return 0
        lax.fori_loop(0, NGRP, fire, 0)
        def drain(g, _):
            pltpu.make_async_copy(wt_v.at[pl.ds(g * GRP, GRP)],
                                  acc_sh.at[idx_v.at[g]], sem).wait()
            return 0
        lax.fori_loop(0, NGRP, drain, 0)
        return 0
    lax.fori_loop(0, NCHUNK, chunk_body, 0)

    plsc.subcore_barrier()

    w1_span = W1_WORDS // NUM_SUBCORES
    pltpu.sync_copy(acc_sh.at[pl.ds(s * w1_span, w1_span)],
                    w1_hbm.at[pl.ds(c * W1_WORDS + s * w1_span, w1_span)])
    w2_span = W2_WORDS // NUM_SUBCORES
    pltpu.sync_copy(acc_sh.at[pl.ds(W1_WORDS + s * w2_span, w2_span)],
                    w2_hbm.at[pl.ds(c * W2_WORDS + s * w2_span, w2_span)])


_build_w = functools.partial(
    pl.kernel,
    mesh=plsc.VectorSubcoreMesh(core_axis_name="c", subcore_axis_name="s"),
    out_type=[
        jax.ShapeDtypeStruct((L1_DIM * IN_DIM,), jnp.float32),
        jax.ShapeDtypeStruct((L2_DIM * D2_LO,), jnp.float32),
    ],
    scratch_types=[
        pltpu.VMEM_SHARED((ACC,), jnp.float32),
        pltpu.VMEM((2, CH), jnp.int32),
        pltpu.VMEM((CH,), jnp.float32),
        pltpu.VMEM((NGRP, GRP), jnp.int32),
        pltpu.VMEM((ZBUF,), jnp.float32),
        pltpu.SemaphoreType.DMA,
    ],
)(_build_w_kernel)


def _ln(z, g, b):
    mu = jnp.mean(z, axis=-1, keepdims=True)
    var = jnp.mean((z - mu) ** 2, axis=-1, keepdims=True)
    return (z - mu) * lax.rsqrt(var + 1e-5) * g + b


def _dense_body(x_ref, w1t_ref, w2t_ref, b1_ref, b2_ref, g1_ref, bb1_ref,
                g2_ref, bb2_ref, hw1_ref, hb1_ref, hw2_ref, hb2_ref,
                stacked_ref, avg_ref):
    x = x_ref[...]
    dn = (((1,), (1,)), ((), ()))
    z1 = lax.dot_general(x, w1t_ref[...], dn,
                         preferred_element_type=jnp.float32) + b1_ref[...]
    act1 = jnp.tanh(_ln(z1, g1_ref[...], bb1_ref[...]))
    p1 = lax.dot_general(act1, hw1_ref[...], dn,
                         preferred_element_type=jnp.float32) + hb1_ref[...]
    z2 = (lax.dot_general(x, w2t_ref[:, :IN_DIM], dn,
                          preferred_element_type=jnp.float32)
          + lax.dot_general(act1, w2t_ref[:, IN_DIM:], dn,
                            preferred_element_type=jnp.float32)
          + b2_ref[...])
    act2 = jnp.tanh(_ln(z2, g2_ref[...], bb2_ref[...]))
    p2 = lax.dot_general(act2, hw2_ref[...], dn,
                         preferred_element_type=jnp.float32) + hb2_ref[...]
    stacked_ref[0] = p1
    stacked_ref[1] = p2
    avg_ref[...] = (p1 + p2) * 0.5


def kernel(x, edge_index, weight, bias, g1, b1, g2, b2, hw1, hb1, hw2, hb2):
    packed = edge_index.reshape(2, NCHUNK_ALL, CH).transpose(1, 0, 2)
    w1t, w2t = _build_w(packed, weight)
    w1t = w1t.reshape(L1_DIM, IN_DIM)
    w2t = w2t.reshape(L2_DIM, D2_LO)
    b1r = bias[0:L1_DIM].reshape(1, L1_DIM)
    b2r = bias[L1_DIM:L1_DIM + L2_DIM].reshape(1, L2_DIM)
    stacked, avg = pl.pallas_call(
        _dense_body,
        out_shape=(
            jax.ShapeDtypeStruct((2, BATCH, OUT_DIM), jnp.float32),
            jax.ShapeDtypeStruct((BATCH, OUT_DIM), jnp.float32),
        ),
    )(x, w1t, w2t, b1r, b2r,
      g1.reshape(1, L1_DIM), b1.reshape(1, L1_DIM),
      g2.reshape(1, L2_DIM), b2.reshape(1, L2_DIM),
      hw1, hb1.reshape(1, OUT_DIM), hw2, hb2.reshape(1, OUT_DIM))
    return (avg, stacked)

# --- scband reference (transcript-rebuilt; emitter-appended) ---
"""Pipeline reference for scband-binn-73237782331418 (READ-ONLY COPY).

The authoritative reference and input builder live on the scoring server;
editing this copy changes nothing except your own understanding.
"""

import jax, jax.numpy as jnp
import numpy as np

INPUT_DIM = 2048
LAYER_DIMS = [2048, 1024, 512, 64]
LAYER_IDX = [0, 2048, 3072, 3584, 3648]
N_TOTAL = 3648
N_EDGES = 262144
BATCH = 256
OUT_DIM = 64


def setup_inputs(seed: int = 0):
    key = jax.random.key(seed)
    ks = jax.random.split(key, 12)
    x = jax.random.normal(ks[0], (BATCH, INPUT_DIM), dtype=jnp.float32)
    edge_index = jax.random.randint(ks[1], (2, N_EDGES), 0, N_TOTAL, dtype=jnp.int32)
    # custom weight init: per-edge scale 1/sqrt(fan_in of dst node)
    dst = edge_index[1]
    counts = jnp.zeros((N_TOTAL,), jnp.float32).at[dst].add(1.0)
    fan_in = jnp.maximum(counts[dst], 1.0)
    weight = jax.random.normal(ks[2], (N_EDGES,), dtype=jnp.float32) / jnp.sqrt(fan_in)
    bias = jnp.zeros((N_TOTAL - INPUT_DIM,), jnp.float32)
    g1 = jnp.ones((1024,), jnp.float32)
    b1 = jnp.zeros((1024,), jnp.float32)
    g2 = jnp.ones((512,), jnp.float32)
    b2 = jnp.zeros((512,), jnp.float32)
    hw1 = jax.random.normal(ks[3], (OUT_DIM, 1024), jnp.float32) * (1.0 / np.sqrt(1024))
    hb1 = jnp.zeros((OUT_DIM,), jnp.float32)
    hw2 = jax.random.normal(ks[4], (OUT_DIM, 512), jnp.float32) * (1.0 / np.sqrt(512))
    hb2 = jnp.zeros((OUT_DIM,), jnp.float32)
    return {"x": x, "edge_index": edge_index, "weight": weight, "bias": bias,
            "g1": g1, "b1": b1, "g2": g2, "b2": b2,
            "hw1": hw1, "hb1": hb1, "hw2": hw2, "hb2": hb2}


def _layer_norm(z, g, b):
    mu = jnp.mean(z, axis=-1, keepdims=True)
    var = jnp.mean((z - mu) ** 2, axis=-1, keepdims=True)
    return (z - mu) / jnp.sqrt(var + 1e-5) * g + b


def reference(x, edge_index, weight, bias, g1, b1, g2, b2, hw1, hb1, hw2, hb2):
    B = x.shape[0]
    # activations buffer over all nodes; input nodes seeded with x
    prev = jnp.zeros((B, N_TOTAL), x.dtype).at[:, :INPUT_DIM].set(x)
    # sparse COO weight matrix (rows=src, cols=dst); .add matches torch coalesce of duplicate indices
    W = jnp.zeros((N_TOTAL, N_TOTAL), x.dtype).at[edge_index[0], edge_index[1]].add(weight)
    ln = [(g1, b1), (g2, b2)]
    heads = [(hw1, hb1), (hw2, hb2)]
    preds = []
    n_layers = len(LAYER_DIMS)
    for i in range(1, n_layers):
        s = LAYER_IDX[i]
        e = LAYER_IDX[i + 1]
        # torch.sparse.mm(W^T, prev^T)^T == prev @ W
        ws = prev @ W
        cur = ws[:, s:e]
        lb = bias[s - INPUT_DIM:e - INPUT_DIM]
        if i < n_layers - 1:
            g, bt = ln[i - 1]
            normed = _layer_norm(cur + lb, g, bt)
            act = jnp.tanh(normed)
            hw, hb = heads[i - 1]
            preds.append(act @ hw.T + hb)
        else:
            act = cur + lb
        prev = prev.at[:, s:e].set(act)
    stacked = jnp.stack(preds)
    avg = jnp.mean(stacked, axis=0)
    return (avg, stacked)

if __name__ == "__main__":
    import jax
    _d = setup_inputs()
    print(jax.jit(kernel)(*tuple(_d.values())))

</pallas_src>

<mosaic_0001>
#map = affine_map<(d0, d1) -> (0, 0, 0)>
#map1 = affine_map<(d0, d1) -> (0)>
module attributes {stable_mosaic.version = 14 : i64} {
  func.func @_build_w_kernel(%arg0: i32, %arg1: i32, %arg2: memref<128x2x2048xi32, #tpu.memory_space<hbm>>, %arg3: memref<262144xf32, #tpu.memory_space<hbm>>, %arg4: memref<2097152xf32, #tpu.memory_space<hbm>>, %arg5: memref<1572864xf32, #tpu.memory_space<hbm>>, %arg6: memref<1835136xf32, #tpu.memory_space<vmem_shared>>, %arg7: memref<2x2048xi32, #tpu.memory_space<vmem>>, %arg8: memref<2048xf32, #tpu.memory_space<vmem>>, %arg9: memref<16x128xi32, #tpu.memory_space<vmem>>, %arg10: memref<4096xf32, #tpu.memory_space<vmem>>, %arg11: memref<!tpu.dma_semaphore, #tpu.memory_space<semaphore_mem>>) attributes {dimension_semantics = [#tpu.dimension_semantics<core_parallel>, #tpu.dimension_semantics<subcore_parallel>], iteration_bounds = array<i64: 2, 16>, scalar_prefetch = 0 : i64, scratch_operands = 6 : i64, tpu.core_type = #tpu.core_type<sc_vector_subcore>, window_params = [{transform_indices = #map}, {transform_indices = #map1}, {transform_indices = #map1}, {transform_indices = #map1}]} {
    %scan3A = arith.constant 0 : i32
    %scan3A_0 = arith.constant 0 : i32
    %scan3A_1 = arith.constant 256 : i32
    %scan3A_2 = arith.addi %scan3A_0, %scan3A_1 : i32
    %scan3A_3 = arith.constant 1 : i32
    %scan3A_4 = scf.for %scan3A_48 = %scan3A_0 to %scan3A_2 step %scan3A_3 iter_args(%scan3A_49 = %scan3A) -> (i32)  : i32 {
      %broadcast_in_dim3A = arith.constant 0.000000e+00 : f32
      %broadcast_in_dim3A_50 = vector.broadcast %broadcast_in_dim3A : f32 to vector<16xf32>
      %mul3A_51 = arith.constant 16 : i32
      %mul3A_52 = arith.muli %scan3A_48, %mul3A_51 : i32
      %swap3A = arith.index_cast %mul3A_52 : i32 to index
      %swap3A_53 = tpu.vector_load %arg10[%swap3A] {strides = array<i32>} : memref<4096xf32, #tpu.memory_space<vmem>>, vector<16xf32>,
      %swap3A_54 = vector.shape_cast %swap3A_53 : vector<16xf32> to vector<16xf32>
      %swap3A_55 = vector.shape_cast %broadcast_in_dim3A_50 : vector<16xf32> to vector<16xf32>
      tpu.vector_store %arg10[%swap3A], %swap3A_55 {strides = array<i32>} : memref<4096xf32, #tpu.memory_space<vmem>>, vector<16xf32>,
      %scan3A_56 = arith.constant 0 : i32
      scf.yield %scan3A_56 : i32
    }
    %scan3A_5 = arith.constant 256 : i32
    %mul3A = arith.constant 114696 : i32
    %mul3A_6 = arith.muli %arg1, %mul3A : i32
    %scan3A_7 = arith.constant 0 : i32
    %scan3A_8 = arith.constant 0 : i32
    %scan3A_9 = arith.constant 28 : i32
    %scan3A_10 = arith.addi %scan3A_8, %scan3A_9 : i32
    %scan3A_11 = arith.constant 1 : i32
    %scan3A_12 = scf.for %scan3A_48 = %scan3A_8 to %scan3A_10 step %scan3A_11 iter_args(%scan3A_49 = %scan3A_7) -> (i32)  : i32 {
      %mul3A_50 = arith.constant 4096 : i32
      %mul3A_51 = arith.muli %scan3A_48, %mul3A_50 : i32
      %add3A_52 = arith.addi %mul3A_6, %mul3A_51 : i32
      "tpu.region"() ({
        %run_scoped3A = tpu.sem_alloc : memref<!tpu.dma_semaphore, #tpu.memory_space<semaphore_mem>>
        %dma_start3A = tpu.memref_slice %arg6[%add3A_52] : memref<1835136xf32, #tpu.memory_space<vmem_shared>> -> memref<4096xf32, #tpu.memory_space<vmem_shared>>
        %dma_start3A_54 = tpu.memref_slice %arg6[%add3A_52] : memref<1835136xf32, #tpu.memory_space<vmem_shared>> -> memref<4096xf32, #tpu.memory_space<vmem_shared>>
        tpu.enqueue_dma source(%arg10 : memref<4096xf32, #tpu.memory_space<vmem>>) target(%dma_start3A_54 : memref<4096xf32, #tpu.memory_space<vmem_shared>>) target_semaphore(%run_scoped3A : memref<!tpu.dma_semaphore, #tpu.memory_space<semaphore_mem>>)
        %dma_wait3A = tpu.memref_slice %arg6[%add3A_52] : memref<1835136xf32, #tpu.memory_space<vmem_shared>> -> memref<4096xf32, #tpu.memory_space<vmem_shared>>
        %dma_wait3A_55 = tpu.memref_slice %arg6[%add3A_52] : memref<1835136xf32, #tpu.memory_space<vmem_shared>> -> memref<4096xf32, #tpu.memory_space<vmem_shared>>
        tpu.wait_dma2 semaphore(%run_scoped3A : memref<!tpu.dma_semaphore, #tpu.memory_space<semaphore_mem>>) src(%arg10 : memref<4096xf32, #tpu.memory_space<vmem>>) dst(%dma_wait3A_55 : memref<4096xf32, #tpu.memory_space<vmem_shared>>)
        tpu.yield
      }) : () -> ()
      %scan3A_53 = arith.constant 0 : i32
      scf.yield %scan3A_53 : i32
    }
    %scan3A_13 = arith.constant 28 : i32
    %add3A = arith.constant 114696 : i32
    %add3A_14 = arith.addi %mul3A_6, %add3A : i32
    %sub3A = arith.constant 4096 : i32
    %sub3A_15 = arith.subi %add3A_14, %sub3A : i32
    "tpu.region"() ({
      %run_scoped3A = tpu.sem_alloc : memref<!tpu.dma_semaphore, #tpu.memory_space<semaphore_mem>>
      %dma_start3A = tpu.memref_slice %arg6[%sub3A_15] : memref<1835136xf32, #tpu.memory_space<vmem_shared>> -> memref<4096xf32, #tpu.memory_space<vmem_shared>>
      %dma_start3A_48 = tpu.memref_slice %arg6[%sub3A_15] : memref<1835136xf32, #tpu.memory_space<vmem_shared>> -> memref<4096xf32, #tpu.memory_space<vmem_shared>>
      tpu.enqueue_dma source(%arg10 : memref<4096xf32, #tpu.memory_space<vmem>>) target(%dma_start3A_48 : memref<4096xf32, #tpu.memory_space<vmem_shared>>) target_semaphore(%run_scoped3A : memref<!tpu.dma_semaphore, #tpu.memory_space<semaphore_mem>>)
      %dma_wait3A = tpu.memref_slice %arg6[%sub3A_15] : memref<1835136xf32, #tpu.memory_space<vmem_shared>> -> memref<4096xf32, #tpu.memory_space<vmem_shared>>
      %dma_wait3A_49 = tpu.memref_slice %arg6[%sub3A_15] : memref<1835136xf32, #tpu.memory_space<vmem_shared>> -> memref<4096xf32, #tpu.memory_space<vmem_shared>>
      tpu.wait_dma2 semaphore(%run_scoped3A : memref<!tpu.dma_semaphore, #tpu.memory_space<semaphore_mem>>) src(%arg10 : memref<4096xf32, #tpu.memory_space<vmem>>) dst(%dma_wait3A_49 : memref<4096xf32, #tpu.memory_space<vmem_shared>>)
      tpu.yield
    }) : () -> ()
    %barrier3A = arith.constant 0 : index
    tpu.barrier barrier_id(%barrier3A)
    %mul3A_16 = arith.constant 512 : i32
    %mul3A_17 = arith.muli %arg0, %mul3A_16 : i32
    %add3A_18 = arith.constant 2048 : i32
    %add3A_19 = arith.addi %add3A_18, %mul3A_17 : i32
    %mul3A_20 = arith.constant 256 : i32
    %mul3A_21 = arith.muli %arg0, %mul3A_20 : i32
    %add3A_22 = arith.constant 3072 : i32
    %add3A_23 = arith.addi %add3A_22, %mul3A_21 : i32
    %scan3A_24 = arith.constant 0 : i32
    %scan3A_25 = arith.constant 0 : i32
    %scan3A_26 = arith.constant 8 : i32
    %scan3A_27 = arith.addi %scan3A_25, %scan3A_26 : i32
    %scan3A_28 = arith.constant 1 : i32
    %scan3A_29 = scf.for %scan3A_48 = %scan3A_25 to %scan3A_27 step %scan3A_28 iter_args(%scan3A_49 = %scan3A_24) -> (i32)  : i32 {
      %mul3A_50 = arith.constant 8 : i32
      %mul3A_51 = arith.muli %arg1, %mul3A_50 : i32
      %add3A_52 = arith.addi %mul3A_51, %scan3A_48 : i32
      %dma_start3A = arith.constant 0 : i32
      %dma_start3A_53 = arith.constant 0 : i32
      %dma_start3A_54 = tpu.memref_slice %arg2[%add3A_52, %dma_start3A, %dma_start3A_53] : memref<128x2x2048xi32, #tpu.memory_space<hbm>> -> memref<1x2x2048xi32, #tpu.memory_space<hbm>>
      %dma_start3A_55 = tpu.memref_squeeze %dma_start3A_54 : memref<1x2x2048xi32, #tpu.memory_space<hbm>> -> memref<2x2048xi32, #tpu.memory_space<hbm>>
      %dma_start3A_56 = arith.constant 0 : i32
      %dma_start3A_57 = arith.constant 0 : i32
      %dma_start3A_58 = tpu.memref_slice %arg2[%add3A_52, %dma_start3A_56, %dma_start3A_57] : memref<128x2x2048xi32, #tpu.memory_space<hbm>> -> memref<1x2x2048xi32, #tpu.memory_space<hbm>>
      %dma_start3A_59 = tpu.memref_squeeze %dma_start3A_58 : memref<1x2x2048xi32, #tpu.memory_space<hbm>> -> memref<2x2048xi32, #tpu.memory_space<hbm>>
      tpu.enqueue_dma source(%dma_start3A_59 : memref<2x2048xi32, #tpu.memory_space<hbm>>) target(%arg7 : memref<2x2048xi32, #tpu.memory_space<vmem>>) target_semaphore(%arg11 : memref<!tpu.dma_semaphore, #tpu.memory_space<semaphore_mem>>)
      %mul3A_60 = arith.constant 8 : i32
      %mul3A_61 = arith.muli %arg1, %mul3A_60 : i32
      %add3A_62 = arith.addi %mul3A_61, %scan3A_48 : i32
      %mul3A_63 = arith.constant 2048 : i32
      %mul3A_64 = arith.muli %add3A_62, %mul3A_63 : i32
      %dma_start3A_65 = tpu.memref_slice %arg3[%mul3A_64] : memref<262144xf32, #tpu.memory_space<hbm>> -> memref<2048xf32, #tpu.memory_space<hbm>>
      %dma_start3A_66 = tpu.memref_slice %arg3[%mul3A_64] : memref<262144xf32, #tpu.memory_space<hbm>> -> memref<2048xf32, #tpu.memory_space<hbm>>
      tpu.enqueue_dma source(%dma_start3A_66 : memref<2048xf32, #tpu.memory_space<hbm>>) target(%arg8 : memref<2048xf32, #tpu.memory_space<vmem>>) target_semaphore(%arg11 : memref<!tpu.dma_semaphore, #tpu.memory_space<semaphore_mem>>)
      %mul3A_67 = arith.constant 8 : i32
      %mul3A_68 = arith.muli %arg1, %mul3A_67 : i32
      %add3A_69 = arith.addi %mul3A_68, %scan3A_48 : i32
      %dma_wait3A = arith.constant 0 : i32
      %dma_wait3A_70 = arith.constant 0 : i32
      %dma_wait3A_71 = tpu.memref_slice %arg2[%add3A_69, %dma_wait3A, %dma_wait3A_70] : memref<128x2x2048xi32, #tpu.memory_space<hbm>> -> memref<1x2x2048xi32, #tpu.memory_space<hbm>>
      %dma_wait3A_72 = tpu.memref_squeeze %dma_wait3A_71 : memref<1x2x2048xi32, #tpu.memory_space<hbm>> -> memref<2x2048xi32, #tpu.memory_space<hbm>>
      %dma_wait3A_73 = arith.constant 0 : i32
      %dma_wait3A_74 = arith.constant 0 : i32
      %dma_wait3A_75 = tpu.memref_slice %arg2[%add3A_69, %dma_wait3A_73, %dma_wait3A_74] : memref<128x2x2048xi32, #tpu.memory_space<hbm>> -> memref<1x2x2048xi32, #tpu.memory_space<hbm>>
      %dma_wait3A_76 = tpu.memref_squeeze %dma_wait3A_75 : memref<1x2x2048xi32, #tpu.memory_space<hbm>> -> memref<2x2048xi32, #tpu.memory_space<hbm>>
      tpu.wait_dma2 semaphore(%arg11 : memref<!tpu.dma_semaphore, #tpu.memory_space<semaphore_mem>>) src(%dma_wait3A_76 : memref<2x2048xi32, #tpu.memory_space<hbm>>) dst(%arg7 : memref<2x2048xi32, #tpu.memory_space<vmem>>)
      %mul3A_77 = arith.constant 8 : i32
      %mul3A_78 = arith.muli %arg1, %mul3A_77 : i32
      %add3A_79 = arith.addi %mul3A_78, %scan3A_48 : i32
      %mul3A_80 = arith.constant 2048 : i32
      %mul3A_81 = arith.muli %add3A_79, %mul3A_80 : i32
      %dma_wait3A_82 = tpu.memref_slice %arg3[%mul3A_81] : memref<262144xf32, #tpu.memory_space<hbm>> -> memref<2048xf32, #tpu.memory_space<hbm>>
      %dma_wait3A_83 = tpu.memref_slice %arg3[%mul3A_81] : memref<262144xf32, #tpu.memory_space<hbm>> -> memref<2048xf32, #tpu.memory_space<hbm>>
      tpu.wait_dma2 semaphore(%arg11 : memref<!tpu.dma_semaphore, #tpu.memory_space<semaphore_mem>>) src(%dma_wait3A_83 : memref<2048xf32, #tpu.memory_space<hbm>>) dst(%arg8 : memref<2048xf32, #tpu.memory_space<vmem>>)
      %scan3A_84 = arith.constant 0 : i32
      %scan3A_85 = arith.constant 0 : i32
      %scan3A_86 = arith.constant 128 : i32
      %scan3A_87 = arith.addi %scan3A_85, %scan3A_86 : i32
      %scan3A_88 = arith.constant 1 : i32
      %scan3A_89 = scf.for %scan3A_106 = %scan3A_85 to %scan3A_87 step %scan3A_88 iter_args(%scan3A_107 = %scan3A_84) -> (i32)  : i32 {
        %mul3A_108 = arith.constant 16 : i32
        %mul3A_109 = arith.muli %scan3A_106, %mul3A_108 : i32
        %get3A = arith.constant 0 : i32
        %get3A_110 = arith.index_cast %get3A : i32 to index
        %get3A_111 = arith.index_cast %mul3A_109 : i32 to index
        %get3A_112 = tpu.vector_load %arg7[%get3A_110, %get3A_111] {strides = array<i32>} : memref<2x2048xi32, #tpu.memory_space<vmem>>, vector<1x16xi32>,
        %get3A_113 = vector.shape_cast %get3A_112 : vector<1x16xi32> to vector<16xi32>
        %mul3A_114 = arith.constant 16 : i32
        %mul3A_115 = arith.muli %scan3A_106, %mul3A_114 : i32
        %get3A_116 = arith.constant 1 : i32
        %get3A_117 = arith.index_cast %get3A_116 : i32 to index
        %get3A_118 = arith.index_cast %mul3A_115 : i32 to index
        %get3A_119 = tpu.vector_load %arg7[%get3A_117, %get3A_118] {strides = array<i32>} : memref<2x2048xi32, #tpu.memory_space<vmem>>, vector<1x16xi32>,
        %get3A_120 = vector.shape_cast %get3A_119 : vector<1x16xi32> to vector<16xi32>
        %sub3A_121 = vector.broadcast %add3A_19 : i32 to vector<16xi32>
        %sub3A_122 = arith.subi %get3A_120, %sub3A_121 : vector<16xi32>
        %ge3A = arith.constant 0 : i32
        %ge3A_123 = vector.broadcast %ge3A : i32 to vector<16xi32>
        %ge3A_124 = arith.cmpi sge, %sub3A_122, %ge3A_123 : vector<16xi32>
        %lt3A = arith.constant 512 : i32
        %lt3A_125 = vector.broadcast %lt3A : i32 to vector<16xi32>
        %lt3A_126 = arith.cmpi slt, %sub3A_122, %lt3A_125 : vector<16xi32>
        %and3A = arith.andi %ge3A_124, %lt3A_126 : vector<16xi1>
        %lt3A_127 = arith.constant 2048 : i32
        %lt3A_128 = vector.broadcast %lt3A_127 : i32 to vector<16xi32>
        %lt3A_129 = arith.cmpi slt, %get3A_113, %lt3A_128 : vector<16xi32>
        %and3A_130 = arith.andi %and3A, %lt3A_129 : vector<16xi1>
        %sub3A_131 = vector.broadcast %add3A_23 : i32 to vector<16xi32>
        %sub3A_132 = arith.subi %get3A_120, %sub3A_131 : vector<16xi32>
        %ge3A_133 = arith.constant 0 : i32
        %ge3A_134 = vector.broadcast %ge3A_133 : i32 to vector<16xi32>
        %ge3A_135 = arith.cmpi sge, %sub3A_132, %ge3A_134 : vector<16xi32>
        %lt3A_136 = arith.constant 256 : i32
        %lt3A_137 = vector.broadcast %lt3A_136 : i32 to vector<16xi32>
        %lt3A_138 = arith.cmpi slt, %sub3A_132, %lt3A_137 : vector<16xi32>
        %and3A_139 = arith.andi %ge3A_135, %lt3A_138 : vector<16xi1>
        %lt3A_140 = arith.constant 3072 : i32
        %lt3A_141 = vector.broadcast %lt3A_140 : i32 to vector<16xi32>
        %lt3A_142 = arith.cmpi slt, %get3A_113, %lt3A_141 : vector<16xi32>
        %and3A_143 = arith.andi %and3A_139, %lt3A_142 : vector<16xi1>
        %mul3A_144 = arith.constant 2048 : i32
        %mul3A_145 = vector.broadcast %mul3A_144 : i32 to vector<16xi32>
        %mul3A_146 = arith.muli %sub3A_122, %mul3A_145 : vector<16xi32>
        %add3A_147 = arith.addi %mul3A_146, %get3A_113 : vector<16xi32>
        %mul3A_148 = arith.constant 3072 : i32
        %mul3A_149 = vector.broadcast %mul3A_148 : i32 to vector<16xi32>
        %mul3A_150 = arith.muli %sub3A_132, %mul3A_149 : vector<16xi32>
        %add3A_151 = arith.constant 1048576 : i32
        %add3A_152 = vector.broadcast %add3A_151 : i32 to vector<16xi32>
        %add3A_153 = arith.addi %add3A_152, %mul3A_150 : vector<16xi32>
        %add3A_154 = arith.addi %add3A_153, %get3A_113 : vector<16xi32>
        %and3A_155 = arith.constant 127 : i32
        %and3A_156 = vector.broadcast %and3A_155 : i32 to vector<16xi32>
        %and3A_157 = arith.andi %get3A_113, %and3A_156 : vector<16xi32>
        %add3A_158 = arith.constant 1835008 : i32
        %add3A_159 = vector.broadcast %add3A_158 : i32 to vector<16xi32>
        %add3A_160 = arith.addi %add3A_159, %and3A_157 : vector<16xi32>
        %select_n3A = arith.select %and3A_143, %add3A_154, %add3A_160 : vector<16xi1>, vector<16xi32>
        %select_n3A_161 = arith.select %and3A_130, %add3A_147, %select_n3A : vector<16xi1>, vector<16xi32>
        %jit3A = arith.constant 8 : i32
        %div3A = arith.divsi %scan3A_106, %jit3A : i32
        %sign3A = arith.constant 0 : i32
        %sign3A_162 = arith.cmpi sgt, %scan3A_106, %sign3A : i32
        %sign3A_163 = arith.extui %sign3A_162 : i1 to i32
        %sign3A_164 = arith.constant 0 : i32
        %sign3A_165 = arith.cmpi slt, %scan3A_106, %sign3A_164 : i32
        %sign3A_166 = arith.extui %sign3A_165 : i1 to i32
        %sign3A_167 = arith.subi %sign3A_163, %sign3A_166 : i32
        %sign3A_168 = arith.constant 0 : i32
        %sign3A_169 = arith.cmpi sgt, %jit3A, %sign3A_168 : i32
        %sign3A_170 = arith.extui %sign3A_169 : i1 to i32
        %sign3A_171 = arith.constant 0 : i32
        %sign3A_172 = arith.cmpi slt, %jit3A, %sign3A_171 : i32
        %sign3A_173 = arith.extui %sign3A_172 : i1 to i32
        %sign3A_174 = arith.subi %sign3A_170, %sign3A_173 : i32
        %ne3A = arith.cmpi ne, %sign3A_167, %sign3A_174 : i32
        %rem3A = arith.remsi %scan3A_106, %jit3A : i32
        %ne3A_175 = arith.constant 0 : i32
        %ne3A_176 = arith.cmpi ne, %rem3A, %ne3A_175 : i32
        %and3A_177 = arith.andi %ne3A, %ne3A_176 : i1
        %sub3A_178 = arith.constant 1 : i32
        %sub3A_179 = arith.subi %div3A, %sub3A_178 : i32
        %select_n3A_180 = arith.select %and3A_177, %sub3A_179, %div3A : i32
        %jit3A_181 = arith.constant 8 : i32
        %eq3A = arith.constant 0 : i32
        %eq3A_182 = arith.cmpi eq, %jit3A_181, %eq3A : i32
        %jit3A_183 = arith.constant 1 : i32
        %select_n3A_184 = arith.select %eq3A_182, %jit3A_183, %jit3A_181 : i32
        %rem3A_185 = arith.remsi %scan3A_106, %select_n3A_184 : i32
        %ne3A_186 = arith.constant 0 : i32
        %ne3A_187 = arith.cmpi ne, %rem3A_185, %ne3A_186 : i32
        %lt3A_188 = arith.constant 0 : i32
        %lt3A_189 = arith.cmpi slt, %rem3A_185, %lt3A_188 : i32
        %lt3A_190 = arith.constant 0 : i32
        %lt3A_191 = arith.cmpi slt, %select_n3A_184, %lt3A_190 : i32
        %ne3A_192 = arith.xori %lt3A_189, %lt3A_191 : i1
        %and3A_193 = arith.andi %ne3A_192, %ne3A_187 : i1
        %add3A_194 = arith.addi %rem3A_185, %select_n3A_184 : i32
        %select_n3A_195 = arith.select %and3A_193, %add3A_194, %rem3A_185 : i32
        %mul3A_196 = arith.constant 16 : i32
        %mul3A_197 = arith.muli %select_n3A_195, %mul3A_196 : i32
        %swap3A = arith.index_cast %select_n3A_180 : i32 to index
        %swap3A_198 = arith.index_cast %mul3A_197 : i32 to index
        %swap3A_199 = tpu.vector_load %arg9[%swap3A, %swap3A_198] {strides = array<i32>} : memref<16x128xi32, #tpu.memory_space<vmem>>, vector<1x16xi32>,
        %swap3A_200 = vector.shape_cast %swap3A_199 : vector<1x16xi32> to vector<16xi32>
        %swap3A_201 = vector.shape_cast %select_n3A_161 : vector<16xi32> to vector<1x16xi32>
        tpu.vector_store %arg9[%swap3A, %swap3A_198], %swap3A_201 {strides = array<i32>} : memref<16x128xi32, #tpu.memory_space<vmem>>, vector<1x16xi32>,
        %scan3A_202 = arith.constant 0 : i32
        scf.yield %scan3A_202 : i32
      }
      %scan3A_90 = arith.constant 128 : i32
      %scan3A_91 = arith.constant 0 : i32
      %scan3A_92 = arith.constant 0 : i32
      %scan3A_93 = arith.constant 16 : i32
      %scan3A_94 = arith.addi %scan3A_92, %scan3A_93 : i32
      %scan3A_95 = arith.constant 1 : i32
      %scan3A_96 = scf.for %scan3A_106 = %scan3A_92 to %scan3A_94 step %scan3A_95 iter_args(%scan3A_107 = %scan3A_91) -> (i32)  : i32 {
        %mul3A_108 = arith.constant 128 : i32
        %mul3A_109 = arith.muli %scan3A_106, %mul3A_108 : i32
        %dma_start3A_110 = tpu.memref_slice %arg8[%mul3A_109] : memref<2048xf32, #tpu.memory_space<vmem>> -> memref<128xf32, #tpu.memory_space<vmem>>
        %dma_start3A_111 = arith.constant 0 : i32
        %dma_start3A_112 = tpu.memref_slice %arg9[%scan3A_106, %dma_start3A_111] : memref<16x128xi32, #tpu.memory_space<vmem>> -> memref<1x128xi32, #tpu.memory_space<vmem>>
        %dma_start3A_113 = tpu.memref_squeeze %dma_start3A_112 : memref<1x128xi32, #tpu.memory_space<vmem>> -> memref<128xi32, #tpu.memory_space<vmem>>
        %dma_start3A_114 = arith.constant 0 : i32
        %dma_start3A_115 = tpu.memref_slice %arg6[%dma_start3A_114] : memref<1835136xf32, #tpu.memory_space<vmem_shared>> -> memref<1835136xf32, #tpu.memory_space<vmem_shared>>
        tpu.enqueue_indirect_dma source(%dma_start3A_110 : memref<128xf32, #tpu.memory_space<vmem>>) target(%dma_start3A_115 : memref<1835136xf32, #tpu.memory_space<vmem_shared>>) offsets(%dma_start3A_113 : memref<128xi32, #tpu.memory_space<vmem>>) semaphore(%arg11 : memref<!tpu.dma_semaphore, #tpu.memory_space<semaphore_mem>>) {add = true}
        %scan3A_116 = arith.constant 0 : i32
        scf.yield %scan3A_116 : i32
      }
      %scan3A_97 = arith.constant 16 : i32
      %scan3A_98 = arith.constant 0 : i32
      %scan3A_99 = arith.constant 0 : i32
      %scan3A_100 = arith.constant 16 : i32
      %scan3A_101 = arith.addi %scan3A_99, %scan3A_100 : i32
      %scan3A_102 = arith.constant 1 : i32
      %scan3A_103 = scf.for %scan3A_106 = %scan3A_99 to %scan3A_101 step %scan3A_102 iter_args(%scan3A_107 = %scan3A_98) -> (i32)  : i32 {
        %mul3A_108 = arith.constant 128 : i32
        %mul3A_109 = arith.muli %scan3A_106, %mul3A_108 : i32
        %dma_wait3A_110 = tpu.memref_slice %arg8[%mul3A_109] : memref<2048xf32, #tpu.memory_space<vmem>> -> memref<128xf32, #tpu.memory_space<vmem>>
        %dma_wait3A_111 = arith.constant 0 : i32
        %dma_wait3A_112 = tpu.memref_slice %arg9[%scan3A_106, %dma_wait3A_111] : memref<16x128xi32, #tpu.memory_space<vmem>> -> memref<1x128xi32, #tpu.memory_space<vmem>>
        %dma_wait3A_113 = tpu.memref_squeeze %dma_wait3A_112 : memref<1x128xi32, #tpu.memory_space<vmem>> -> memref<128xi32, #tpu.memory_space<vmem>>
        %dma_wait3A_114 = arith.constant 0 : i32
        %dma_wait3A_115 = tpu.memref_slice %arg6[%dma_wait3A_114] : memref<1835136xf32, #tpu.memory_space<vmem_shared>> -> memref<1835136xf32, #tpu.memory_space<vmem_shared>>
        tpu.wait_indirect_dma semaphore(%arg11 : memref<!tpu.dma_semaphore, #tpu.memory_space<semaphore_mem>>) src(%dma_wait3A_110 : memref<128xf32, #tpu.memory_space<vmem>>) dst(%dma_wait3A_115 : memref<1835136xf32, #tpu.memory_space<vmem_shared>>)
        %scan3A_116 = arith.constant 0 : i32
        scf.yield %scan3A_116 : i32
      }
      %scan3A_104 = arith.constant 16 : i32
      %scan3A_105 = arith.constant 0 : i32
      scf.yield %scan3A_105 : i32
    }
    %scan3A_30 = arith.constant 8 : i32
    %barrier3A_31 = arith.constant 0 : index
    tpu.barrier barrier_id(%barrier3A_31)
    %mul3A_32 = arith.constant 65536 : i32
    %mul3A_33 = arith.muli %arg1, %mul3A_32 : i32
    %mul3A_34 = arith.constant 1048576 : i32
    %mul3A_35 = arith.muli %arg0, %mul3A_34 : i32
    %mul3A_36 = arith.constant 65536 : i32
    %mul3A_37 = arith.muli %arg1, %mul3A_36 : i32
    %add3A_38 = arith.addi %mul3A_35, %mul3A_37 : i32
    "tpu.region"() ({
      %run_scoped3A = tpu.sem_alloc : memref<!tpu.dma_semaphore, #tpu.memory_space<semaphore_mem>>
      %dma_start3A = tpu.memref_slice %arg4[%add3A_38] : memref<2097152xf32, #tpu.memory_space<hbm>> -> memref<65536xf32, #tpu.memory_space<hbm>>
      %dma_start3A_48 = tpu.memref_slice %arg6[%mul3A_33] : memref<1835136xf32, #tpu.memory_space<vmem_shared>> -> memref<65536xf32, #tpu.memory_space<vmem_shared>>
      tpu.enqueue_dma source(%dma_start3A_48 : memref<65536xf32, #tpu.memory_space<vmem_shared>>) target(%dma_start3A : memref<65536xf32, #tpu.memory_space<hbm>>) target_semaphore(%run_scoped3A : memref<!tpu.dma_semaphore, #tpu.memory_space<semaphore_mem>>)
      %dma_wait3A = tpu.memref_slice %arg4[%add3A_38] : memref<2097152xf32, #tpu.memory_space<hbm>> -> memref<65536xf32, #tpu.memory_space<hbm>>
      %dma_wait3A_49 = tpu.memref_slice %arg6[%mul3A_33] : memref<1835136xf32, #tpu.memory_space<vmem_shared>> -> memref<65536xf32, #tpu.memory_space<vmem_shared>>
      tpu.wait_dma2 semaphore(%run_scoped3A : memref<!tpu.dma_semaphore, #tpu.memory_space<semaphore_mem>>) src(%dma_wait3A_49 : memref<65536xf32, #tpu.memory_space<vmem_shared>>) dst(%dma_wait3A : memref<65536xf32, #tpu.memory_space<hbm>>)
      tpu.yield
    }) : () -> ()
    %mul3A_39 = arith.constant 49152 : i32
    %mul3A_40 = arith.muli %arg1, %mul3A_39 : i32
    %add3A_41 = arith.constant 1048576 : i32
    %add3A_42 = arith.addi %add3A_41, %mul3A_40 : i32
    %mul3A_43 = arith.constant 786432 : i32
    %mul3A_44 = arith.muli %arg0, %mul3A_43 : i32
    %mul3A_45 = arith.constant 49152 : i32
    %mul3A_46 = arith.muli %arg1, %mul3A_45 : i32
    %add3A_47 = arith.addi %mul3A_44, %mul3A_46 : i32
    "tpu.region"() ({
      %run_scoped3A = tpu.sem_alloc : memref<!tpu.dma_semaphore, #tpu.memory_space<semaphore_mem>>
      %dma_start3A = tpu.memref_slice %arg5[%add3A_47] : memref<1572864xf32, #tpu.memory_space<hbm>> -> memref<49152xf32, #tpu.memory_space<hbm>>
      %dma_start3A_48 = tpu.memref_slice %arg6[%add3A_42] : memref<1835136xf32, #tpu.memory_space<vmem_shared>> -> memref<49152xf32, #tpu.memory_space<vmem_shared>>
      tpu.enqueue_dma source(%dma_start3A_48 : memref<49152xf32, #tpu.memory_space<vmem_shared>>) target(%dma_start3A : memref<49152xf32, #tpu.memory_space<hbm>>) target_semaphore(%run_scoped3A : memref<!tpu.dma_semaphore, #tpu.memory_space<semaphore_mem>>)
      %dma_wait3A = tpu.memref_slice %arg5[%add3A_47] : memref<1572864xf32, #tpu.memory_space<hbm>> -> memref<49152xf32, #tpu.memory_space<hbm>>
      %dma_wait3A_49 = tpu.memref_slice %arg6[%add3A_42] : memref<1835136xf32, #tpu.memory_space<vmem_shared>> -> memref<49152xf32, #tpu.memory_space<vmem_shared>>
      tpu.wait_dma2 semaphore(%run_scoped3A : memref<!tpu.dma_semaphore, #tpu.memory_space<semaphore_mem>>) src(%dma_wait3A_49 : memref<49152xf32, #tpu.memory_space<vmem_shared>>) dst(%dma_wait3A : memref<49152xf32, #tpu.memory_space<hbm>>)
      tpu.yield
    }) : () -> ()
    return
  }
}

module attributes {stable_mosaic.version = 14 : i64} {
  func.func @_dense_body(%arg0: memref<256x2048xf32, #tpu.memory_space<vmem>>, %arg1: memref<1024x2048xf32, #tpu.memory_space<vmem>>, %arg2: memref<512x3072xf32, #tpu.memory_space<vmem>>, %arg3: memref<1x1024xf32, #tpu.memory_space<vmem>>, %arg4: memref<1x512xf32, #tpu.memory_space<vmem>>, %arg5: memref<1x1024xf32, #tpu.memory_space<vmem>>, %arg6: memref<1x1024xf32, #tpu.memory_space<vmem>>, %arg7: memref<1x512xf32, #tpu.memory_space<vmem>>, %arg8: memref<1x512xf32, #tpu.memory_space<vmem>>, %arg9: memref<64x1024xf32, #tpu.memory_space<vmem>>, %arg10: memref<1x64xf32, #tpu.memory_space<vmem>>, %arg11: memref<64x512xf32, #tpu.memory_space<vmem>>, %arg12: memref<1x64xf32, #tpu.memory_space<vmem>>, %arg13: memref<2x256x64xf32, #tpu.memory_space<vmem>>, %arg14: memref<256x64xf32, #tpu.memory_space<vmem>>) attributes {dimension_semantics = [], scalar_prefetch = 0 : i64, scratch_operands = 0 : i64, tpu.core_type = #tpu.core_type<tc>} {
    %get3A = arith.constant 0 : index
    %get3A_0 = arith.constant 0 : index
    %get3A_1 = vector.load %arg0[%get3A, %get3A_0] : memref<256x2048xf32, #tpu.memory_space<vmem>>, vector<256x2048xf32>
    %get3A_2 = arith.constant 0 : index
    %get3A_3 = arith.constant 0 : index
    %get3A_4 = vector.load %arg1[%get3A_2, %get3A_3] : memref<1024x2048xf32, #tpu.memory_space<vmem>>, vector<1024x2048xf32>
    %dot_general3A = arith.constant dense<0.000000e+00> : vector<256x1024xf32>
    %dot_general3A_5 = tpu.matmul %get3A_1, %get3A_4, %dot_general3A {dimension_numbers = #tpu.dot_dimension_numbers<[1], [1], [0], [0], [0, 0, 1, 0], [], []>, transpose_lhs_hint = false} : vector<256x2048xf32>, vector<1024x2048xf32>, vector<256x1024xf32> -> vector<256x1024xf32>
    %get3A_6 = arith.constant 0 : index
    %get3A_7 = arith.constant 0 : index
    %get3A_8 = vector.load %arg3[%get3A_6, %get3A_7] : memref<1x1024xf32, #tpu.memory_space<vmem>>, vector<1x1024xf32>
    %add3A = vector.broadcast %get3A_8 : vector<1x1024xf32> to vector<256x1024xf32>
    %add3A_9 = arith.addf %dot_general3A_5, %add3A : vector<256x1024xf32>
    %get3A_10 = arith.constant 0 : index
    %get3A_11 = arith.constant 0 : index
    %get3A_12 = vector.load %arg5[%get3A_10, %get3A_11] : memref<1x1024xf32, #tpu.memory_space<vmem>>, vector<1x1024xf32>
    %get3A_13 = arith.constant 0 : index
    %get3A_14 = arith.constant 0 : index
    %get3A_15 = vector.load %arg6[%get3A_13, %get3A_14] : memref<1x1024xf32, #tpu.memory_space<vmem>>, vector<1x1024xf32>
    %reduce_sum3A = arith.constant dense<0.000000e+00> : vector<256xf32>
    %reduce_sum3A_16 = vector.multi_reduction <add>, %add3A_9, %reduce_sum3A [1] : vector<256x1024xf32> to vector<256xf32>
    %broadcast_in_dim3A = vector.shape_cast %reduce_sum3A_16 : vector<256xf32> to vector<256x1xf32>
    %div3A = arith.constant 1.024000e+03 : f32
    %div3A_17 = vector.broadcast %div3A : f32 to vector<256x1xf32>
    %div3A_18 = arith.divf %broadcast_in_dim3A, %div3A_17 : vector<256x1xf32>
    %sub3A = vector.broadcast %div3A_18 : vector<256x1xf32> to vector<256x1024xf32>
    %sub3A_19 = arith.subf %add3A_9, %sub3A : vector<256x1024xf32>
    %integer_pow3A = arith.mulf %sub3A_19, %sub3A_19 : vector<256x1024xf32>
    %reduce_sum3A_20 = arith.constant dense<0.000000e+00> : vector<256xf32>
    %reduce_sum3A_21 = vector.multi_reduction <add>, %integer_pow3A, %reduce_sum3A_20 [1] : vector<256x1024xf32> to vector<256xf32>
    %broadcast_in_dim3A_22 = vector.shape_cast %reduce_sum3A_21 : vector<256xf32> to vector<256x1xf32>
    %div3A_23 = arith.constant 1.024000e+03 : f32
    %div3A_24 = vector.broadcast %div3A_23 : f32 to vector<256x1xf32>
    %div3A_25 = arith.divf %broadcast_in_dim3A_22, %div3A_24 : vector<256x1xf32>
    %sub3A_26 = vector.broadcast %div3A_18 : vector<256x1xf32> to vector<256x1024xf32>
    %sub3A_27 = arith.subf %add3A_9, %sub3A_26 : vector<256x1024xf32>
    %add3A_28 = arith.constant 9.99999974E-6 : f32
    %add3A_29 = vector.broadcast %add3A_28 : f32 to vector<256x1xf32>
    %add3A_30 = arith.addf %div3A_25, %add3A_29 : vector<256x1xf32>
    %rsqrt3A = math.rsqrt %add3A_30 : vector<256x1xf32>
    %mul3A = vector.broadcast %rsqrt3A : vector<256x1xf32> to vector<256x1024xf32>
    %mul3A_31 = arith.mulf %sub3A_27, %mul3A : vector<256x1024xf32>
    %mul3A_32 = vector.broadcast %get3A_12 : vector<1x1024xf32> to vector<256x1024xf32>
    %mul3A_33 = arith.mulf %mul3A_31, %mul3A_32 : vector<256x1024xf32>
    %add3A_34 = vector.broadcast %get3A_15 : vector<1x1024xf32> to vector<256x1024xf32>
    %add3A_35 = arith.addf %mul3A_33, %add3A_34 : vector<256x1024xf32>
    %tanh3A = math.tanh %add3A_35 : vector<256x1024xf32>
    %get3A_36 = arith.constant 0 : index
    %get3A_37 = arith.constant 0 : index
    %get3A_38 = vector.load %arg9[%get3A_36, %get3A_37] : memref<64x1024xf32, #tpu.memory_space<vmem>>, vector<64x1024xf32>
    %dot_general3A_39 = arith.constant dense<0.000000e+00> : vector<256x64xf32>
    %dot_general3A_40 = tpu.matmul %tanh3A, %get3A_38, %dot_general3A_39 {dimension_numbers = #tpu.dot_dimension_numbers<[1], [1], [0], [0], [0, 0, 1, 0], [], []>, transpose_lhs_hint = false} : vector<256x1024xf32>, vector<64x1024xf32>, vector<256x64xf32> -> vector<256x64xf32>
    %get3A_41 = arith.constant 0 : index
    %get3A_42 = arith.constant 0 : index
    %get3A_43 = vector.load %arg10[%get3A_41, %get3A_42] : memref<1x64xf32, #tpu.memory_space<vmem>>, vector<1x64xf32>
    %add3A_44 = vector.broadcast %get3A_43 : vector<1x64xf32> to vector<256x64xf32>
    %add3A_45 = arith.addf %dot_general3A_40, %add3A_44 : vector<256x64xf32>
    %get3A_46 = arith.constant 0 : index
    %get3A_47 = arith.constant 0 : index
    %get3A_48 = vector.load %arg2[%get3A_46, %get3A_47] : memref<512x3072xf32, #tpu.memory_space<vmem>>, vector<512x2048xf32>
    %dot_general3A_49 = arith.constant dense<0.000000e+00> : vector<256x512xf32>
    %dot_general3A_50 = tpu.matmul %get3A_1, %get3A_48, %dot_general3A_49 {dimension_numbers = #tpu.dot_dimension_numbers<[1], [1], [0], [0], [0, 0, 1, 0], [], []>, transpose_lhs_hint = false} : vector<256x2048xf32>, vector<512x2048xf32>, vector<256x512xf32> -> vector<256x512xf32>
    %get3A_51 = arith.constant 0 : index
    %get3A_52 = arith.constant 2048 : index
    %get3A_53 = vector.load %arg2[%get3A_51, %get3A_52] : memref<512x3072xf32, #tpu.memory_space<vmem>>, vector<512x1024xf32>
    %dot_general3A_54 = arith.constant dense<0.000000e+00> : vector<256x512xf32>
    %dot_general3A_55 = tpu.matmul %tanh3A, %get3A_53, %dot_general3A_54 {dimension_numbers = #tpu.dot_dimension_numbers<[1], [1], [0], [0], [0, 0, 1, 0], [], []>, transpose_lhs_hint = false} : vector<256x1024xf32>, vector<512x1024xf32>, vector<256x512xf32> -> vector<256x512xf32>
    %add3A_56 = arith.addf %dot_general3A_50, %dot_general3A_55 : vector<256x512xf32>
    %get3A_57 = arith.constant 0 : index
    %get3A_58 = arith.constant 0 : index
    %get3A_59 = vector.load %arg4[%get3A_57, %get3A_58] : memref<1x512xf32, #tpu.memory_space<vmem>>, vector<1x512xf32>
    %add3A_60 = vector.broadcast %get3A_59 : vector<1x512xf32> to vector<256x512xf32>
    %add3A_61 = arith.addf %add3A_56, %add3A_60 : vector<256x512xf32>
    %get3A_62 = arith.constant 0 : index
    %get3A_63 = arith.constant 0 : index
    %get3A_64 = vector.load %arg7[%get3A_62, %get3A_63] : memref<1x512xf32, #tpu.memory_space<vmem>>, vector<1x512xf32>
    %get3A_65 = arith.constant 0 : index
    %get3A_66 = arith.constant 0 : index
    %get3A_67 = vector.load %arg8[%get3A_65, %get3A_66] : memref<1x512xf32, #tpu.memory_space<vmem>>, vector<1x512xf32>
    %reduce_sum3A_68 = arith.constant dense<0.000000e+00> : vector<256xf32>
    %reduce_sum3A_69 = vector.multi_reduction <add>, %add3A_61, %reduce_sum3A_68 [1] : vector<256x512xf32> to vector<256xf32>
    %broadcast_in_dim3A_70 = vector.shape_cast %reduce_sum3A_69 : vector<256xf32> to vector<256x1xf32>
    %div3A_71 = arith.constant 5.120000e+02 : f32
    %div3A_72 = vector.broadcast %div3A_71 : f32 to vector<256x1xf32>
    %div3A_73 = arith.divf %broadcast_in_dim3A_70, %div3A_72 : vector<256x1xf32>
    %sub3A_74 = vector.broadcast %div3A_73 : vector<256x1xf32> to vector<256x512xf32>
    %sub3A_75 = arith.subf %add3A_61, %sub3A_74 : vector<256x512xf32>
    %integer_pow3A_76 = arith.mulf %sub3A_75, %sub3A_75 : vector<256x512xf32>
    %reduce_sum3A_77 = arith.constant dense<0.000000e+00> : vector<256xf32>
    %reduce_sum3A_78 = vector.multi_reduction <add>, %integer_pow3A_76, %reduce_sum3A_77 [1] : vector<256x512xf32> to vector<256xf32>
    %broadcast_in_dim3A_79 = vector.shape_cast %reduce_sum3A_78 : vector<256xf32> to vector<256x1xf32>
    %div3A_80 = arith.constant 5.120000e+02 : f32
    %div3A_81 = vector.broadcast %div3A_80 : f32 to vector<256x1xf32>
    %div3A_82 = arith.divf %broadcast_in_dim3A_79, %div3A_81 : vector<256x1xf32>
    %sub3A_83 = vector.broadcast %div3A_73 : vector<256x1xf32> to vector<256x512xf32>
    %sub3A_84 = arith.subf %add3A_61, %sub3A_83 : vector<256x512xf32>
    %add3A_85 = arith.constant 9.99999974E-6 : f32
    %add3A_86 = vector.broadcast %add3A_85 : f32 to vector<256x1xf32>
    %add3A_87 = arith.addf %div3A_82, %add3A_86 : vector<256x1xf32>
    %rsqrt3A_88 = math.rsqrt %add3A_87 : vector<256x1xf32>
    %mul3A_89 = vector.broadcast %rsqrt3A_88 : vector<256x1xf32> to vector<256x512xf32>
    %mul3A_90 = arith.mulf %sub3A_84, %mul3A_89 : vector<256x512xf32>
    %mul3A_91 = vector.broadcast %get3A_64 : vector<1x512xf32> to vector<256x512xf32>
    %mul3A_92 = arith.mulf %mul3A_90, %mul3A_91 : vector<256x512xf32>
    %add3A_93 = vector.broadcast %get3A_67 : vector<1x512xf32> to vector<256x512xf32>
    %add3A_94 = arith.addf %mul3A_92, %add3A_93 : vector<256x512xf32>
    %tanh3A_95 = math.tanh %add3A_94 : vector<256x512xf32>
    %get3A_96 = arith.constant 0 : index
    %get3A_97 = arith.constant 0 : index
    %get3A_98 = vector.load %arg11[%get3A_96, %get3A_97] : memref<64x512xf32, #tpu.memory_space<vmem>>, vector<64x512xf32>
    %dot_general3A_99 = arith.constant dense<0.000000e+00> : vector<256x64xf32>
    %dot_general3A_100 = tpu.matmul %tanh3A_95, %get3A_98, %dot_general3A_99 {dimension_numbers = #tpu.dot_dimension_numbers<[1], [1], [0], [0], [0, 0, 1, 0], [], []>, transpose_lhs_hint = false} : vector<256x512xf32>, vector<64x512xf32>, vector<256x64xf32> -> vector<256x64xf32>
    %get3A_101 = arith.constant 0 : index
    %get3A_102 = arith.constant 0 : index
    %get3A_103 = vector.load %arg12[%get3A_101, %get3A_102] : memref<1x64xf32, #tpu.memory_space<vmem>>, vector<1x64xf32>
    %add3A_104 = vector.broadcast %get3A_103 : vector<1x64xf32> to vector<256x64xf32>
    %add3A_105 = arith.addf %dot_general3A_100, %add3A_104 : vector<256x64xf32>
    %swap3A = arith.constant 0 : index
    %swap3A_106 = arith.constant 0 : index
    %swap3A_107 = arith.constant 0 : index
    %swap3A_108 = vector.load %arg13[%swap3A, %swap3A_106, %swap3A_107] : memref<2x256x64xf32, #tpu.memory_space<vmem>>, vector<1x256x64xf32>
    %swap3A_109 = vector.shape_cast %swap3A_108 : vector<1x256x64xf32> to vector<256x64xf32>
    %swap3A_110 = vector.shape_cast %add3A_45 : vector<256x64xf32> to vector<1x256x64xf32>
    tpu.vector_store %arg13[%swap3A, %swap3A_106, %swap3A_107], %swap3A_110 {strides = array<i32>} : memref<2x256x64xf32, #tpu.memory_space<vmem>>, vector<1x256x64xf32>,
    %swap3A_111 = arith.constant 1 : index
    %swap3A_112 = arith.constant 0 : index
    %swap3A_113 = arith.constant 0 : index
    %swap3A_114 = vector.load %arg13[%swap3A_111, %swap3A_112, %swap3A_113] : memref<2x256x64xf32, #tpu.memory_space<vmem>>, vector<1x256x64xf32>
    %swap3A_115 = vector.shape_cast %swap3A_114 : vector<1x256x64xf32> to vector<256x64xf32>
    %swap3A_116 = vector.shape_cast %add3A_105 : vector<256x64xf32> to vector<1x256x64xf32>
    tpu.vector_store %arg13[%swap3A_111, %swap3A_112, %swap3A_113], %swap3A_116 {strides = array<i32>} : memref<2x256x64xf32, #tpu.memory_space<vmem>>, vector<1x256x64xf32>,
    %add3A_117 = arith.addf %add3A_45, %add3A_105 : vector<256x64xf32>
    %mul3A_118 = arith.constant 5.000000e-01 : f32
    %mul3A_119 = vector.broadcast %mul3A_118 : f32 to vector<256x64xf32>
    %mul3A_120 = arith.mulf %add3A_117, %mul3A_119 : vector<256x64xf32>
    %swap3A_121 = arith.constant 0 : index
    %swap3A_122 = arith.constant 0 : index
    %swap3A_123 = vector.load %arg14[%swap3A_121, %swap3A_122] : memref<256x64xf32, #tpu.memory_space<vmem>>, vector<256x64xf32>
    tpu.vector_store %arg14[%swap3A_121, %swap3A_122], %mul3A_120 {strides = array<i32>} : memref<256x64xf32, #tpu.memory_space<vmem>>, vector<256x64xf32>,
    return
  }
}

</mosaic_0001>

<sc_bundles>
// kernel: kernel.4.cloned.1.call-start
scs
__scs_entry_jumppad:
0x0: {  	(pc) =	sbr.rel $0x88, $3  }
0x1: {  	(tag) =	ssettag $0x0;
	lr =	simm.s32 $0x1  }
0x2: {  	[smem:$0x3F95] =	sst lr;
	_ =	strace $0xD0000000  }
0x3: {  	_ = 	snop  }
0x4: {  	_ = 	snop  }
0x5: {  	_ = 	snop  }
0x6: {  	_ = 	snop  }
0x7: {  	_ = 	snop  }
__scs_overlays_trampoline_lowered:
0x8: {  	[smem:$0x3FA4] =	sst s0  }
0x9: {  	[smem:$0x3FA5] =	sst s1  }
0xa: {  	[smem:$0x3FA6] =	sst s2  }
0xb: {  	[smem:$0x3FA7] =	sst s3  }
0xc: {  	[smem:$0x3FA8] =	sst s4  }
0xd: {  	[smem:$0x3FA9] =	sst s5  }
0xe: {  	[smem:$0x3FAA] =	sst s6  }
0xf: {  	[smem:$0x3FAB] =	sst s7  }
0x10: {  	[smem:$0x3FAC] =	sst s8  }
0x11: {  	[smem:$0x3FAD] =	sst s9;
	s0 =	simm.s32 @!p0 $0x0  }
0x12: {  	s1 =	sld [smem:$0x3F93];
	s0 =	simm.s32 @p0 $0x1  }
0x13: {  	[smem:$0x3FAE] =	sst s0;
	s0 =	simm.s32 @!p1 $0x0  }
0x14: {  	s2 =	sld [smem:$0x3F92];
	s0 =	simm.s32 @p1 $0x1  }
0x15: {  	[smem:$0x3FAF] =	sst s0;
	s0 =	simm.s32 @!p2 $0x0  }
0x16: {  	s3 =	sld [smem:$0x3FDB];
	s0 =	simm.s32 @p2 $0x1  }
0x17: {  	s4 =	simm.s32 $0x1BF5;
	[smem:$0x3FB1] =	sst s0  }
0x18: {  	s0 =	sld [smem:$0x3F94];
	_ =	swait.ge [sflag:s4], $0x0  }
0x19: {  	s7 =	sld [smem:$0x3F95]  }
0x1a: {  	s8 =	sadd.s32 $0xFFFFE003, lr  }
0x1b: {  	s9 =	sadd.s32 $0xFFFFFEF7, lr;
	s5 =	simm.s32 $0xFFFFFFFF;
	p2 =	slt.u32 s8, $0xFFFFF086  }
0x1c: {  	p1 =	slt.u32 s9, $0xF7A;
	s5 =	simm.s32 @!p2 $0x0  }
0x1d: {  	s5 =	simm.s32 @p1 $0x1;
	p0 =	seq.s32 s7, s2  }
0x1e: {  	s7 =	smul.u32 @!p0 $0xF7A, s2;
	p2 =	seq.s32 @!p0 s5, $0x0  }
0x1f: {  	s9 =	smul.u32 $0xF7A, s1;
	s8 =	simm.s32 @!p0 $0x1BF5;
	p2 =	por !p2, p0  }
0x20: {  	[sflag:s8] =	ssyncset.s32 @!p0 $0xFFFFF086;
	s6 =	sadd.s32 @!p0 s3, s7;
	s7 =	simm.s32 @!p0 $0x108  }
0x21: {  	s3 =	sadd.s32 s3, s9;
	s6 =	sadd.s32 @!p0 $0x88, s6;
	s7 =	simm.s32 @p2 $0x1082  }
0x22: {  	[simem:s7], [sflag:s8] =	dma.local @!p0 [hbm:s6], $0xF7A  }
0x23: {  	s9 =	sor.u32 $0xD0000000, s2;
	s6 =	simm.s32 $0x108;
	_ =	swait.ge @!p0 [sflag:s8], $0x0  }
0x24: {  	s3 =	sadd.s32 $0x88, s3;
	s6 =	simm.s32 @!p1 $0x1082;
	[sflag:s4] =	ssyncset.s32 $0xFFFFF086  }
0x25: {  	[simem:s6], [sflag:s4] =	dma.local [hbm:s3], $0xF7A  }
0x26: {  	[smem:$0x3F95] =	sst s1;
	(tag) =	ssettag s2;
	_ =	strace s9  }
0x27: {  	s1 =	sld [smem:$0x3FA5]  }
0x28: {  	s2 =	sld [smem:$0x3FA6]  }
0x29: {  	s4 =	sld [smem:$0x3FA8]  }
0x2a: {  	p0 =	seq.s32 s5, $0x0;
	s5 =	sld [smem:$0x3FA9]  }
0x2b: {  	s6 =	sld [smem:$0x3FAA]  }
0x2c: {  	s7 =	sld [smem:$0x3FAB]  }
0x2d: {  	s3 =	simm.s32 $0x108;
	s8 =	sld [smem:$0x3FAC]  }
0x2e: {  	s3 =	simm.s32 @!p0 $0x1082;
	s9 =	sld [smem:$0x3FAD]  }
0x2f: {  	lr =	sadd.s32 s0, s3;
	s0 =	sld [smem:$0x3FA4]  }
0x30: {  	s3 =	sld [smem:$0x3FA7]  }
0x31: {  	[smem:$0x3FB0] =	sst s10  }
0x32: {  	s10 =	sld [smem:$0x3FAE];
	_ =	sdelay $0x3  }
0x33: {  	p0 =	seq.s32 s10, $0x1;
	s10 =	sld [smem:$0x3FB0];
	_ =	sdelay $0x3  }
0x34: {  	[smem:$0x3FB0] =	sst s10  }
0x35: {  	s10 =	sld [smem:$0x3FAF];
	_ =	sdelay $0x3  }
0x36: {  	p1 =	seq.s32 s10, $0x1;
	s10 =	sld [smem:$0x3FB0];
	_ =	sdelay $0x3  }
0x37: {  	[smem:$0x3FB0] =	sst s10  }
0x38: {  	s10 =	sld [smem:$0x3FB1]  }
0x39: {  	_ = 	snop;
	(pc) =	sbr.ind lr, $3  }
0x3a: {  	_ = 	snop  }
0x3b: {  	_ = 	snop  }
0x3c: {  	p2 =	seq.s32 s10, $0x1;
	s10 =	sld [smem:$0x3FB0]  }
0x3d: {  	_ =	shalt  }
0x3e: {  	_ =	shalt  }
0x3f: {  	_ =	shalt  }
0x40: {  	_ =	shalt  }
0x41: {  	_ =	shalt  }
0x42: {  	_ =	shalt  }
0x43: {  	_ =	shalt  }
0x44: {  	_ =	shalt  }
0x45: {  	_ =	shalt  }
0x46: {  	_ =	shalt  }
0x47: {  	_ =	shalt  }
0x48: {  	_ =	shalt  }
0x49: {  	_ =	shalt  }
0x4a: {  	_ =	shalt  }
0x4b: {  	_ =	shalt  }
0x4c: {  	_ =	shalt  }
0x4d: {  	_ =	shalt  }
0x4e: {  	_ =	shalt  }
0x4f: {  	_ =	shalt  }
0x50: {  	_ =	shalt  }
0x51: {  	_ =	shalt  }
0x52: {  	_ =	shalt  }
0x53: {  	_ =	shalt  }
0x54: {  	_ =	shalt  }
0x55: {  	_ =	shalt  }
0x56: {  	_ =	shalt  }
0x57: {  	_ =	shalt  }
0x58: {  	_ =	shalt  }
0x59: {  	_ =	shalt  }
0x5a: {  	_ =	shalt  }
0x5b: {  	_ =	shalt  }
0x5c: {  	_ =	shalt  }
0x5d: {  	_ =	shalt  }
0x5e: {  	_ =	shalt  }
0x5f: {  	_ =	shalt  }
0x60: {  	_ =	shalt  }
0x61: {  	_ =	shalt  }
0x62: {  	_ =	shalt  }
0x63: {  	_ =	shalt  }
0x64: {  	_ =	shalt  }
0x65: {  	_ =	shalt  }
0x66: {  	_ =	shalt  }
0x67: {  	_ =	shalt  }
0x68: {  	_ =	shalt  }
0x69: {  	_ =	shalt  }
0x6a: {  	_ =	shalt  }
0x6b: {  	_ =	shalt  }
0x6c: {  	_ =	shalt  }
0x6d: {  	_ =	shalt  }
0x6e: {  	_ =	shalt  }
0x6f: {  	_ =	shalt  }
0x70: {  	_ =	shalt  }
0x71: {  	_ =	shalt  }
0x72: {  	_ =	shalt  }
0x73: {  	_ =	shalt  }
0x74: {  	_ =	shalt  }
0x75: {  	_ =	shalt  }
0x76: {  	_ =	shalt  }
0x77: {  	_ =	shalt  }
0x78: {  	_ =	shalt  }
0x79: {  	_ =	shalt  }
0x7a: {  	_ =	shalt  }
0x7b: {  	_ =	shalt  }
0x7c: {  	_ =	shalt  }
0x7d: {  	_ =	shalt  }
0x7e: {  	_ =	shalt  }
0x7f: {  	_ =	shalt  }
0x80: {  	_ =	shalt  }
0x81: {  	_ =	shalt  }
0x82: {  	_ =	shalt  }
0x83: {  	_ =	shalt  }
0x84: {  	_ =	shalt  }
0x85: {  	_ =	shalt  }
0x86: {  	_ =	shalt  }
0x87: {  	_ =	shalt  }
.Lfunc_end0:
.L_simem_size_0:
called_computation_lowered:
.L_overlay_start_0:
0x88: {  	s2 =	sld [smem:$0x3FD9]  }
0x89: {  	s3 =	sld [smem:$0x3FFE];
	_ =	sdelay $0x1  }
0x8a: {  	s1 =	srdreg.scid  }
0x8b: {  	s0 =	sand.u32 $0x1, s1  }
0x8c: {  	s17 =	sshll.u32 s0, $0xA;
	s2 =	sadd.s32 s3, s2  }
0x8d: {  	s2 =	sadd.s32 s2, s17  }
0x8e: {  	[smem:$0x3FBC] =	sst s2  }
0x8f: {  	_ = 	snop  }
0x90: {  	s2 =	sld [smem:$0x3FC8]  }
0x91: {  	s18 =	sld [smem:$0x3FC7];
	(tm) =	ssettm $0x1  }
0x92: {  	s4 =	sld [smem:$0x3FFB];
	_ =	sdelay $0x3  }
0x93: {  	_ =	strace s4  }
0x94: {  	s4 =	sld [smem:$0x3FFC];
	_ =	sdelay $0x3  }
0x95: {  	_ =	strace s4  }
0x96: {  	s4 =	sld [smem:$0x3FFD];
	_ =	sdelay $0x3  }
0x97: {  	_ =	strace s4  }
0x98: {  	_ =	strace $0x8FFFFFFF  }
0x99: {  	s19 =	sld [smem:$0x3FDB];
	_ =	sdelay $0x1  }
0x9a: {  	s5 =	simm.s32 $_scs_section_size  }
0x9b: {  	s6 =	simm.s32 $_size__tile_overlayer_lowered;
	s7 =	simm.s32 $_tile_overlayer_lowered  }
0x9c: {  	s22 =	simm.s32 $0x1BFF;
	s21 =	sshll.u32 s7, $0x1;
	s4 =	sadd.s32 s5, s19  }
0x9d: {  	s8 =	simm.s32 $0x0;
	s20 =	sshll.u32 s6, $0x1;
	s6 =	sadd.s32 s21, s4  }
0x9e: {  	[timem:s8], [sflag:s22] =	dma.local [hbm:s6], s20  }
0x9f: {  	_ =	swait.ge [sflag:s22], s20  }
0xa0: {  	s5 =	ssub.s32 $0x0, s20;
	[sflag:s22] =	ssyncset.done $0x0  }
0xa1: {  	[sflag:s22] =	ssyncadd.s32 s5;
	_ =	sdelay $0x1  }
0xa2: {  	s23 =	simm.s32 $0x1B8B  }
0xa3: {  	_ =	swait.ge [sflag:s23], $0x1  }
0xa4: {  	[sflag:s23] =	ssyncset.done $0x0  }
0xa5: {  	s25 =	simm.s32 $0x1B8E;
	s24 =	sld [smem:$0x3FFE];
	[sflag:s23] =	ssyncadd.s32 $0xFFFFFFFF  }
0xa6: {  	s26 =	simm.s32 $execute0_lowered;
	[smem:$0x3FD2] =	sst s25  }
0xa7: {  	s6 =	sshll.u32 s26, $0x1;
	_ =	strace $0x80000046;
	[dreg:$0x1] =	wrdreg $0xFFFFFFFF  }
0xa8: {  	s28 =	simm.s32 $_size_execute0_lowered;
	s4 =	sadd.s32 s4, s6;
	[dreg:$0x0] =	wrdreg $0x0  }
0xa9: {  	s6 =	sshll.u32 s28, $0x1;
	[dreg:$0x2] =	wrdreg s4  }
0xaa: {  	[dreg:$0x3] =	wrdreg s6  }
0xab: {  	[dreg:$0x4] =	wrdreg $0xC0  }
0xac: {  	_ =	task [dreg:s8], $0x5FFFF  }
0xad: {  	[dreg:$0x1] =	wrdreg $0xFFFFFFFF  }
0xae: {  	[dreg:$0x0] =	wrdreg $0x60  }
0xaf: {  	[dreg:$0x2] =	wrdreg s2  }
0xb0: {  	[dreg:$0x3] =	wrdreg s18  }
0xb1: {  	[dreg:$0x4] =	wrdreg s24  }
0xb2: {  	[dreg:$0x5] =	wrdreg $0x0  }
0xb3: {  	[dreg:$0x6] =	wrdreg $0x9  }
0xb4: {  	_ =	task.clear_ibuf [dreg:s8], $0x7FFFF;
	_ =	strace $0x90000046  }
0xb5: {  	s29 =	simm.s32 $0x9;
	_ =	strace $0x80000048  }
0xb6: {  	_ =	swait.ge [sflag:s29], $0x1  }
0xb7: {  	[sflag:s29] =	ssyncadd.s32 $0xFFFFFFFF  }
0xb8: {  	_ =	strace $0x90000048  }
0xb9: {  	_ =	sfence  }
0xba: {  	s30 =	sld [smem:$0x0];
	_ =	sdelay $0x2  }
0xbb: {  	s31 =	sshll.u32 s1, $0xD;
	s1 =	sshrl.u32 s1, $0x2  }
0xbc: {  	s3 =	sand.u32 $0x4000, s31;
	s1 =	sadd.s32 s1, s30  }
0xbd: {  	s0 =	sor.u32 s3, s0;
	s1 =	sshll.u32 s1, $0x11  }
0xbe: {  	s0 =	sor.u32 s1, s0  }
0xbf: {  	s0 =	sadd.s32 $0x8F2B, s0  }
0xc0: {  	[sflag:s0] =	ssyncadd.remote.s32 $0x1  }
0xc1: {  	_ =	sfence.sel $0xFFFF  }
0xc2: {  	[dreg:$0x0] =	wrdreg $0xFFFFFFFF;
	(pc) =	sbr.abs _section_cstart, $3  }
0xc3: {  	[dreg:$0x1] =	wrdreg $0xFFFFFFFF  }
0xc4: {  	_ =	task.clear_ibuf [dreg:s8], $0x2FFFF;
	_ =	strace $0x9FFFFFFF  }
0xc5: {  	(tm) =	ssettm $0x7FFFFFFF  }
tec
execute0_lowered:
.L_overlay_start_1:
0x0: {  	(tag) =	ssettag $0x1  }
0x1: {  	s0 =	rddreg [dreg:$0x2]  }
0x2: {  	s4 =	rddreg [dreg:$0x3];
	s1 =	srdreg.scid  }
0x3: {  	s22 =	simm.s32 $0x0;
	s11 =	stileid.u32;
	s12 =	simm.s32 $0x1E008  }
0x4: {  	s13 =	simm.s32 $0x2;
	s15 =	simm.s32 $0x1D008;
	s16 =	simm.s32 $0x1  }
0x5: {  	s17 =	simm.s32 $0x80;
	s14 =	simm.s32 $0x1D588;
	s18 =	simm.s32 $0x1DE08  }
0x6: {  	s19 =	simm.s32 $0x1D608;
	s28 =	simm.s32 $0x1D788;
	s29 =	simm.s32 $0x0  }
0x7: {  	s1 =	sand.u32 $0x1, s1;
	s3 =	sshll.u32 s11, $0x10;
	s7 =	smul.u32 $0xC000, s11  }
0x8: {  	[smem:$0x7FF] =	sst s22;
	s6 =	smul.u32 $0x70020, s11;
	s2 =	sshll.u32 s1, $0x14  }
0x9: {  	s5 =	smul.u32 $0xC0000, s1;
	_ =	strace $0x80000047;
	s8 =	ssub.s32 $0x2, s1  }
0xa: {  	s23 =	sshll.u32 s1, $0x9;
	s1 =	sshll.u32 s1, $0x8;
	s25 =	sadd.s32 s3, s4  }
0xb: {  	s2 =	sor.u32 s3, s2;
	s9 =	sshrl.u32 s8, $0x1;
	s6 =	sshrl.u32 s6, $0x2  }
0xc: {  	s10 =	sor.u32 $0xC00, s1;
	s26 =	sadd.s32 s7, s4;
	s1 =	sshrl.u32 s25, $0x3  }
0xd: {  	s25 =	simm.s32 $0x1D708;
	s2 =	sshrl.u32 s2, $0x3;
	s5 =	sadd.s32 s7, s5  }
0xe: {  	s20 =	ssub.s32 s8, s9;
	s6 =	sadd.s32 s6, s4;
	s9 =	sor.u32 $0x800, s23  }
0xf: {  	s8 =	sshll.u32 s11, $0x3;
	s30 =	sadd.s32 $0x100000, s26;
	[dreg:$0xa] =	wrdreg s1  }
0x10: {  	s23 =	simm.s32 $0x1D488;
	s1 =	simm.s32 $0x1D508;
	s26 =	simm.s32 $0x1DF88  }
0x11: {  	s2 =	sadd.s32 s2, s0;
	s5 =	sshrl.u32 s5, $0x3;
	s21 =	sadd.s32 $0x1B008, s6  }
0x12: {  	s31 =	smax.u32 s20, $0x1;
	s20 =	simm.s32 $0x1DE88;
	[dreg:$0x6] =	wrdreg s21  }
0x13: {  	s0 =	sadd.s32 s5, s0;
	s24 =	sadd.s32 $0x2000, s2;
	[dreg:$0x9] =	wrdreg s31  }
0x14: {  	s5 =	simm.s32 $0x1DD08;
	[dreg:$0x7] =	wrdreg s24;
	s0 =	sadd.s32 $0x42000, s0  }
0x15: {  	s2 =	simm.s32 $0x1DD88;
	[dreg:$0x8] =	wrdreg s0;
	s0 =	sshrl.u32 s30, $0x3  }
0x16: {  	v2 =	vimm.f32 $0.0e+00;
	v1 =	vmov s10;
	v0 =	vmov s9;
	s21 =	simm.s32 $0x1D688;
	s24 =	simm.s32 $0x1DF08;
	[dreg:$0xb] =	wrdreg s0  }
.LBB2_1:
0x17: {  	s0 =	simm.s32 $0x0  }
.LBB2_2:
0x18: {  	p0 =	sne.s32 s0, $0x3FC0  }
.Ltmp0:
0x19: {  	_ = 	snop;
	(pc) =	sbr.rel @p0 .LBB2_2-.Ltmp0, $3  }
0x1a: {  	_ =	sdelay $0x1  }
0x1b: {  	s3 =	sshra.s32 s0, $0x2  }
0x1c: {  	s0 =	sadd.s32 $0x40, s0;
	[tilespmem:s3+$0x1E008] =	vst v2  }
0x1d: {  	[dreg:$0x5] =	wrdreg s22;
	s0 =	sadd.s32 $0x0, s6  }
0x1e: {  	[spmem:s0] =	stream.linear.scatter [tilespmem:s12], [sflag:$0x2], $0x1000, $0x38;
	[tilespmem:$0x1F008] =	vst v63  }
0x1f: {  	s0 =	simm.s32 $0x4000;
	_ =	swait.ge [sflag:s13], $0x1000  }
.LBB2_4:
0x20: {  	s3 =	sshra.s32 s0, $0x2;
	[sflag:s13] =	ssyncset.done $0x0;
	p0 =	sne.s32 s0, $0x6C000  }
.Ltmp1:
0x21: {  	s3 =	sadd.s32 s3, s6;
	[sflag:s13] =	ssyncadd.s32 $0xFFFFF000;
	(pc) =	sbr.rel @p0 .LBB2_4-.Ltmp1, $3  }
0x22: {  	[spmem:s3] =	stream.linear.scatter [tilespmem:s12], [sflag:$0x2], $0x1000, $0x38;
	[tilespmem:$0x1F008] =	vst v63  }
0x23: {  	s0 =	sadd.s32 $0x4000, s0;
	_ =	sdelay $0x1  }
0x24: {  	_ =	swait.ge [sflag:s13], $0x1000  }
0x25: {  	[sflag:s13] =	ssyncset.done $0x0  }
0x26: {  	s0 =	rddreg [dreg:$0x6];
	[sflag:s13] =	ssyncadd.s32 $0xFFFFF000  }
0x27: {  	[spmem:s0] =	stream.linear.scatter [tilespmem:s12], [sflag:$0x2], $0x1000, $0x38;
	[tilespmem:$0x1F008] =	vst v63  }
0x28: {  	_ =	swait.ge [sflag:s13], $0x1000  }
0x29: {  	[sflag:s13] =	ssyncset.done $0x0  }
0x2a: {  	[sflag:s13] =	ssyncadd.s32 $0xFFFFF000  }
0x2b: {  	s30 =	simm.s32 $0x0;
	[bflag:$0x0] =	sbarrier.arrive $0xFFFF  }
.LBB2_6:
0x2c: {  	s0 =	sadd.s32 s8, s30  }
0x2d: {  	s7 =	rddreg [dreg:$0x0];
	s22 =	simm.s32 $0x1C008;
	s3 =	sshll.u32 s0, $0x9  }
0x2e: {  	s9 =	rddreg [dreg:$0x1];
	s0 =	sshll.u32 s0, $0x8;
	s3 =	sadd.s32 s7, s3  }
0x2f: {  	[tilespmem:s22], [sflag:$0x1] =	stream.linear.gather [hbm4b:s3+s29], $0x1000, $0x38;
	[tilespmem:$0x1F008] =	vst v63  }
0x30: {  	s0 =	sadd.s32 s9, s0  }
0x31: {  	[tilespmem:s15], [sflag:$0x1] =	stream.linear.gather [hbm4b:s0+s29], $0x800, $0x38;
	[tilespmem:$0x1F008] =	vst v63  }
0x32: {  	_ =	swait.ge [sflag:s16], $0x1000  }
0x33: {  	[sflag:s16] =	ssyncset.done $0x0  }
0x34: {  	[sflag:s16] =	ssyncadd.s32 $0xFFFFF000  }
0x35: {  	_ =	swait.ge [sflag:s16], $0x800  }
0x36: {  	s11 =	sand.u32 $0x70, s29;
	s10 =	sand.u32 $0xF00, s29;
	[sflag:s16] =	ssyncset.done $0x0  }
0x37: {  	s0 =	sor.u32 s11, s10;
	[sflag:s16] =	ssyncadd.s32 $0xFFFFF800  }
0x38: {  	v3 =	vld [tilespmem:s0+$0x1C088]  }
0x39: {  	v4 =	vld [tilespmem:s0+$0x1C008];
	_ =	sdelay $0x3  }
0x3a: {  	v5 =	vsub.s32 v3, v1  }
0x3b: {  	vm0 =	vlt.s32 v4, $0x800;
	v7 =	vand.u32 $0x7F, v4;
	v6 =	vmul.u32 $0xC00, v5  }
0x3c: {  	v3 =	vsub.s32 v3, v0;
	vm1 =	vlt.s32 v4, $0xC00;
	v7 =	vor.u32 $0x1C0000, v7  }
0x3d: {  	vm2 =	vlt.u32 v3, $0x200;
	vm3 =	vlt.u32 v5, $0x100;
	v5 =	vadd.s32 v6, v4  }
0x3e: {  	s31 =	simm.s32 $0x40;
	s9 =	simm.s32 $0x80;
	s22 =	sand.u32 $0x1E00, s29;
	v3 =	vshll.u32 v3, $0xB;
	vm1 =	vmand vm1, vm3;
	v5 =	vadd.s32 $0x100000, v5  }
0x3f: {  	s3 =	simm.s32 $0x20;
	s22 =	sshrl.u32 s22, $0x2;
	s0 =	simm.s32 $0x10;
	vm0 =	vmand vm0, vm2;
	v3 =	vadd.s32 v4, v3;
	v4 =	vsel vm1, v5, v7  }
0x40: {  	s10 =	sand.u32 $0xF00, s3;
	s11 =	sor.u32 s11, s22;
	s7 =	sand.u32 $0x70, s0;
	v3 =	vsel vm0, v3, v4  }
.LBB2_7:
0x41: {  	p0 =	sne.s32 s9, $0x1FC0;
	s10 =	sor.u32 s7, s10;
	[tilespmem:s11+$0x1D808] =	vst v3;
	s11 =	smov.u32 s7  }
0x42: {  	v3 =	vld [tilespmem:s10+$0x1C088]  }
0x43: {  	v4 =	vld [tilespmem:s10+$0x1C008];
	_ =	sdelay $0x3  }
0x44: {  	v5 =	vsub.s32 v3, v1  }
0x45: {  	vm0 =	vlt.s32 v4, $0x800;
	v6 =	vmul.u32 $0xC00, v5;
	v7 =	vand.u32 $0x7F, v4  }
.Ltmp2:
0x46: {  	v3 =	vsub.s32 v3, v0;
	vm1 =	vlt.s32 v4, $0xC00;
	v7 =	vor.u32 $0x1C0000, v7;
	(pc) =	sbr.rel @p0 .LBB2_7-.Ltmp2, $4  }
0x47: {  	vm2 =	vlt.u32 v3, $0x200;
	vm3 =	vlt.u32 v5, $0x100;
	v5 =	vadd.s32 v6, v4  }
0x48: {  	s0 =	sadd.s32 $0x10, s0;
	s10 =	sand.u32 $0x1E00, s31;
	s31 =	smov.u32 s9;
	v3 =	vshll.u32 v3, $0xB;
	vm1 =	vmand vm1, vm3;
	v5 =	vadd.s32 $0x100000, v5  }
0x49: {  	s3 =	sadd.s32 $0x20, s3;
	s7 =	sand.u32 $0x70, s0;
	s22 =	sshrl.u32 s10, $0x2;
	vm0 =	vmand vm0, vm2;
	v3 =	vadd.s32 v4, v3;
	v4 =	vsel vm1, v5, v7  }
0x4a: {  	s9 =	sadd.s32 $0x40, s9;
	s10 =	sand.u32 $0xF00, s3;
	s11 =	sor.u32 s11, s22;
	v3 =	vsel vm0, v3, v4  }
0x4b: {  	[tilespmem:s11+$0x1D808] =	vst v3;
	s0 =	sor.u32 s7, s10  }
0x4c: {  	v3 =	vld [tilespmem:s0+$0x1C088]  }
0x4d: {  	v4 =	vld [tilespmem:s0+$0x1C008];
	_ =	sdelay $0x3  }
0x4e: {  	v5 =	vsub.s32 v3, v1  }
0x4f: {  	vm0 =	vlt.s32 v4, $0x800;
	v7 =	vand.u32 $0x7F, v4;
	v6 =	vmul.u32 $0xC00, v5  }
0x50: {  	v3 =	vsub.s32 v3, v0;
	vm1 =	vlt.s32 v4, $0xC00;
	v7 =	vor.u32 $0x1C0000, v7  }
0x51: {  	vm2 =	vlt.u32 v3, $0x200;
	vm3 =	vlt.u32 v5, $0x100;
	v62 =	vadd.s32 v6, v4  }
0x52: {  	s9 =	sand.u32 $0x1E00, s31;
	v3 =	vshll.u32 v3, $0xB;
	vm1 =	vmand vm1, vm3;
	v5 =	vadd.s32 $0x100000, v62  }
0x53: {  	s0 =	sshrl.u32 s9, $0x2;
	vm0 =	vmand vm0, vm2;
	v3 =	vadd.s32 v4, v3;
	v63 =	vsel vm1, v5, v7  }
0x54: {  	s0 =	sor.u32 s7, s0;
	v3 =	vsel vm0, v3, v63  }
0x55: {  	s10 =	simm.s32 $0x1D808;
	[tilespmem:s0+$0x1D808] =	vst v3  }
0x56: {  	[spmem:s4] =	stream.indirect.scatter.add.f32 [tilespmem:s15], [sflag:$0x1], $0x1, s10, s17, $0xb8;
	[tilespmem:$0x1F008] =	vst v63  }
0x57: {  	s11 =	simm.s32 $0x1D888;
	s3 =	simm.s32 $0x1D088  }
0x58: {  	[spmem:s4] =	stream.indirect.scatter.add.f32 [tilespmem:s3], [sflag:$0x1], $0x1, s11, s17, $0xb8;
	[tilespmem:$0x1F008] =	vst v63  }
0x59: {  	s22 =	simm.s32 $0x1D908;
	s31 =	simm.s32 $0x1D108  }
0x5a: {  	[spmem:s4] =	stream.indirect.scatter.add.f32 [tilespmem:s31], [sflag:$0x1], $0x1, s22, s17, $0xb8;
	[tilespmem:$0x1F008] =	vst v63  }
0x5b: {  	s9 =	simm.s32 $0x1D188;
	s7 =	simm.s32 $0x1D988  }
0x5c: {  	[spmem:s4] =	stream.indirect.scatter.add.f32 [tilespmem:s9], [sflag:$0x1], $0x1, s7, s17, $0xb8;
	[tilespmem:$0x1F008] =	vst v63  }
0x5d: {  	s10 =	simm.s32 $0x1DA08;
	s11 =	simm.s32 $0x1D208  }
0x5e: {  	[spmem:s4] =	stream.indirect.scatter.add.f32 [tilespmem:s11], [sflag:$0x1], $0x1, s10, s17, $0xb8;
	[tilespmem:$0x1F008] =	vst v63  }
0x5f: {  	s22 =	simm.s32 $0x1DA88;
	s31 =	simm.s32 $0x1D288  }
0x60: {  	[spmem:s4] =	stream.indirect.scatter.add.f32 [tilespmem:s31], [sflag:$0x1], $0x1, s22, s17, $0xb8;
	[tilespmem:$0x1F008] =	vst v63  }
0x61: {  	s3 =	simm.s32 $0x1DB08;
	s7 =	simm.s32 $0x1D308  }
0x62: {  	[spmem:s4] =	stream.indirect.scatter.add.f32 [tilespmem:s7], [sflag:$0x1], $0x1, s3, s17, $0xb8;
	[tilespmem:$0x1F008] =	vst v63  }
0x63: {  	s9 =	simm.s32 $0x1DB88;
	s10 =	simm.s32 $0x1D388  }
0x64: {  	[spmem:s4] =	stream.indirect.scatter.add.f32 [tilespmem:s10], [sflag:$0x1], $0x1, s9, s17, $0xb8;
	[tilespmem:$0x1F008] =	vst v63  }
0x65: {  	s11 =	simm.s32 $0x1DC08;
	s22 =	simm.s32 $0x1D408  }
0x66: {  	[spmem:s4] =	stream.indirect.scatter.add.f32 [tilespmem:s22], [sflag:$0x1], $0x1, s11, s17, $0xb8;
	[tilespmem:$0x1F008] =	vst v63  }
0x67: {  	s31 =	simm.s32 $0x1DC88  }
0x68: {  	[spmem:s4] =	stream.indirect.scatter.add.f32 [tilespmem:s23], [sflag:$0x1], $0x1, s31, s17, $0xb8;
	[tilespmem:$0x1F008] =	vst v63  }
0x69: {  	_ = 	snop  }
0x6a: {  	[spmem:s4] =	stream.indirect.scatter.add.f32 [tilespmem:s1], [sflag:$0x1], $0x1, s5, s17, $0xb8;
	[tilespmem:$0x1F008] =	vst v63  }
0x6b: {  	_ = 	snop  }
0x6c: {  	[spmem:s4] =	stream.indirect.scatter.add.f32 [tilespmem:s14], [sflag:$0x1], $0x1, s2, s17, $0xb8;
	[tilespmem:$0x1F008] =	vst v63  }
0x6d: {  	_ = 	snop  }
0x6e: {  	[spmem:s4] =	stream.indirect.scatter.add.f32 [tilespmem:s19], [sflag:$0x1], $0x1, s18, s17, $0xb8;
	[tilespmem:$0x1F008] =	vst v63  }
0x6f: {  	_ = 	snop  }
0x70: {  	[spmem:s4] =	stream.indirect.scatter.add.f32 [tilespmem:s21], [sflag:$0x1], $0x1, s20, s17, $0xb8;
	[tilespmem:$0x1F008] =	vst v63  }
0x71: {  	_ = 	snop  }
0x72: {  	[spmem:s4] =	stream.indirect.scatter.add.f32 [tilespmem:s25], [sflag:$0x1], $0x1, s24, s17, $0xb8;
	[tilespmem:$0x1F008] =	vst v63  }
0x73: {  	_ = 	snop  }
0x74: {  	[spmem:s4] =	stream.indirect.scatter.add.f32 [tilespmem:s28], [sflag:$0x1], $0x1, s26, s17, $0xb8;
	[tilespmem:$0x1F008] =	vst v63  }
0x75: {  	_ =	swait.ge [sflag:s16], $0x80  }
0x76: {  	[sflag:s16] =	ssyncset.done $0x0  }
0x77: {  	[sflag:s16] =	ssyncadd.s32 $0xFFFFFF80  }
0x78: {  	_ =	swait.ge [sflag:s16], $0x80  }
0x79: {  	[sflag:s16] =	ssyncset.done $0x0  }
0x7a: {  	[sflag:s16] =	ssyncadd.s32 $0xFFFFFF80  }
0x7b: {  	_ =	swait.ge [sflag:s16], $0x80  }
0x7c: {  	[sflag:s16] =	ssyncset.done $0x0  }
0x7d: {  	[sflag:s16] =	ssyncadd.s32 $0xFFFFFF80  }
0x7e: {  	_ =	swait.ge [sflag:s16], $0x80  }
0x7f: {  	[sflag:s16] =	ssyncset.done $0x0  }
0x80: {  	[sflag:s16] =	ssyncadd.s32 $0xFFFFFF80  }
0x81: {  	_ =	swait.ge [sflag:s16], $0x80  }
0x82: {  	[sflag:s16] =	ssyncset.done $0x0  }
0x83: {  	[sflag:s16] =	ssyncadd.s32 $0xFFFFFF80  }
0x84: {  	_ =	swait.ge [sflag:s16], $0x80  }
0x85: {  	[sflag:s16] =	ssyncset.done $0x0  }
0x86: {  	[sflag:s16] =	ssyncadd.s32 $0xFFFFFF80  }
0x87: {  	_ =	swait.ge [sflag:s16], $0x80  }
0x88: {  	[sflag:s16] =	ssyncset.done $0x0  }
0x89: {  	[sflag:s16] =	ssyncadd.s32 $0xFFFFFF80  }
0x8a: {  	_ =	swait.ge [sflag:s16], $0x80  }
0x8b: {  	[sflag:s16] =	ssyncset.done $0x0  }
0x8c: {  	[sflag:s16] =	ssyncadd.s32 $0xFFFFFF80  }
0x8d: {  	_ =	swait.ge [sflag:s16], $0x80  }
0x8e: {  	[sflag:s16] =	ssyncset.done $0x0  }
0x8f: {  	[sflag:s16] =	ssyncadd.s32 $0xFFFFFF80  }
0x90: {  	_ =	swait.ge [sflag:s16], $0x80  }
0x91: {  	[sflag:s16] =	ssyncset.done $0x0  }
0x92: {  	[sflag:s16] =	ssyncadd.s32 $0xFFFFFF80  }
0x93: {  	_ =	swait.ge [sflag:s16], $0x80  }
0x94: {  	[sflag:s16] =	ssyncset.done $0x0  }
0x95: {  	[sflag:s16] =	ssyncadd.s32 $0xFFFFFF80  }
0x96: {  	_ =	swait.ge [sflag:s16], $0x80  }
0x97: {  	[sflag:s16] =	ssyncset.done $0x0  }
0x98: {  	[sflag:s16] =	ssyncadd.s32 $0xFFFFFF80  }
0x99: {  	_ =	swait.ge [sflag:s16], $0x80  }
0x9a: {  	[sflag:s16] =	ssyncset.done $0x0  }
0x9b: {  	[sflag:s16] =	ssyncadd.s32 $0xFFFFFF80  }
0x9c: {  	_ =	swait.ge [sflag:s16], $0x80  }
0x9d: {  	[sflag:s16] =	ssyncset.done $0x0  }
0x9e: {  	s30 =	sadd.s32 $0x1, s30;
	[sflag:s16] =	ssyncadd.s32 $0xFFFFFF80  }
0x9f: {  	p0 =	sne.s32 s30, $0x8;
	_ =	swait.ge [sflag:s16], $0x80  }
.Ltmp3:
0xa0: {  	[sflag:s16] =	ssyncset.done $0x0;
	(pc) =	sbr.rel @p0 .LBB2_6-.Ltmp3, $4  }
0xa1: {  	[sflag:s16] =	ssyncadd.s32 $0xFFFFFF80  }
0xa2: {  	_ =	swait.ge [sflag:s16], $0x80  }
0xa3: {  	[sflag:s16] =	ssyncset.done $0x0  }
0xa4: {  	[sflag:s16] =	ssyncadd.s32 $0xFFFFFF80  }
0xa5: {  	s0 =	stileid.u32;
	[bflag:$0x0] =	sbarrier.arrive $0xFFFF  }
0xa6: {  	s0 =	sshll.u32 s0, $0x6;
	s3 =	rddreg [dreg:$0x7]  }
0xa7: {  	s7 =	rddreg [dreg:$0xa];
	s0 =	sor.u32 $0x1C02, s0  }
0xa8: {  	[hbm:s3], [sflag:s0] =	dma.local [spmem:s7], $0x2000  }
0xa9: {  	_ =	swait.ge [sflag:s13], $0x2000  }
0xaa: {  	[sflag:s13] =	ssyncset.done $0x0;
	s22 =	rddreg [dreg:$0x8]  }
0xab: {  	s30 =	rddreg [dreg:$0xb];
	[sflag:s13] =	ssyncadd.s32 $0xFFFFE000  }
0xac: {  	[hbm:s22], [sflag:s0] =	dma.local [spmem:s30], $0x1800  }
0xad: {  	_ =	swait.ge [sflag:s13], $0x1800  }
0xae: {  	s22 =	rddreg [dreg:$0x5]  }
0xaf: {  	s31 =	rddreg [dreg:$0x9];
	s22 =	sadd.s32 $0x1, s22  }
0xb0: {  	p0 =	sne.s32 s22, s31  }
.Ltmp4:
0xb1: {  	_ = 	snop;
	(pc) =	sbr.rel @p0 .LBB2_1-.Ltmp4, $3  }
0xb2: {  	_ =	sdelay $0x1  }
0xb3: {  	[sflag:s13] =	ssyncset.done $0x0  }
0xb4: {  	[sflag:s13] =	ssyncadd.s32 $0xFFFFE800  }
0xb5: {  	_ =	sfence.sel $0x180000  }
0xb6: {  	[bflag:$0x0] =	sbarrier.arrive $0xFFFF  }
0xb7: {  	_ =	strace $0x90000047  }
0xb8: {  	s0 =	stileid.u32;
	[bflag:$0x2] =	sbarrier.arrive $0xFFFF  }
0xb9: {  	p0 =	sne.s32 s0, $0x0;
	s0 =	rddreg [dreg:$0x4]  }
0xba: {  	s0 =	sadd.s32 @!p0 $0x100000, s0  }
0xbb: {  	[sflag:s0] =	ssyncadd.tile.s32 @!p0 $0x1;
	_ =	shalt  }
.Lfunc_end2:
_tile_overlayer_lowered:
.L_overlay_start_2:
0xbc: {  	(tag) =	ssettag $0x2  }
0xbd: {  	s0 =	rddreg [dreg:$0x0];
	s2 =	stileid.u32  }
0xbe: {  	s1 =	rddreg [dreg:$0x1];
	p0 =	sne.s32 s2, $0x0  }
0xbf: {  	s3 =	rddreg [dreg:$0x2];
	[bflag:$0x3] =	sbarrier.arrive $0xFFFF;
	s2 =	simm.s32 @!p0 $0x1C02  }
0xc0: {  	[timem:s3], [sflag:s2] =	dma.local @!p0 [hbm:s0], s1  }
0xc1: {  	s0 =	simm.s32 @!p0 $0x2  }
0xc2: {  	_ =	swait.ge @!p0 [sflag:s0], s1  }
0xc3: {  	s1 =	ssub.s32 @!p0 $0x0, s1;
	[sflag:s0] =	ssyncset.done @!p0 $0x0  }
0xc4: {  	[sflag:s0] =	ssyncadd.s32 @!p0 s1  }
0xc5: {  	[bflag:$0x3] =	sbarrier.arrive $0xFFFF  }
0xc6: {  	_ =	shalt  }

</sc_bundles>
